<compile_context>
chip_gen: v7x
topology: tpu7x:2x2x1
jax: 0.10.2.dev20260603
libtpu: 0.0.44.dev20260713+nightly
codegen_flags: <defaults>
</compile_context>

<pallas_src>
import functools

import jax
import jax.numpy as jnp
from jax import lax
from jax.experimental import pallas as pl
from jax.experimental.pallas import tpu as pltpu
from jax.experimental.pallas import tpu_sc as plsc


def _make_gather(B: int, S: int, V: int, D: int):
    NW = 32
    NS = 16
    N = B * S
    per_w = N // NW
    w_per_row = S // per_w
    CH = 16
    NBUF = 4
    MS = 2
    n_ch = per_w // CH

    mesh = plsc.VectorSubcoreMesh(core_axis_name="c", subcore_axis_name="s")

    @functools.partial(
        pl.kernel,
        mesh=mesh,
        out_type=jax.ShapeDtypeStruct((B, S, D), jnp.float32),
        scratch_types=[
            pltpu.VMEM((per_w,), jnp.int32),
            pltpu.VMEM((NBUF * CH, D), jnp.float32),
            pltpu.VMEM_SHARED((NS, MS, CH, D), jnp.float32),
            pltpu.SemaphoreType.DMA((NBUF,)),
            pltpu.SemaphoreType.DMA((MS,)),
            pltpu.SemaphoreType.DMA((MS,)),
        ],
    )
    def gather_kernel(idx_hbm, table_hbm, out_hbm,
                      idx_v, bufs, spm, gsem, msem, hsem):
        rows = [bufs.at[pl.ds(s * CH, CH)] for s in range(NBUF)]
        sid = lax.axis_index("s")
        wid = sid * 2 + lax.axis_index("c")
        b = wid // w_per_row
        col0 = (wid % w_per_row) * per_w
        pltpu.sync_copy(idx_hbm.at[b, pl.ds(col0, per_w)], idx_v)

        def start_gather(i, slot):
            pltpu.async_copy(
                table_hbm.at[idx_v.at[pl.ds(i * CH, CH)]],
                rows[slot], gsem.at[slot])

        def wait_gather(slot):
            pltpu.make_async_copy(
                table_hbm.at[pl.ds(0, CH)], rows[slot], gsem.at[slot]).wait()

        def start_move(slot, mslot):
            pltpu.async_copy(rows[slot], spm.at[sid, mslot], msem.at[mslot])

        def wait_move(slot, mslot):
            pltpu.make_async_copy(
                rows[slot], spm.at[sid, mslot], msem.at[mslot]).wait()

        def start_out(i, mslot):
            pltpu.async_copy(
                spm.at[sid, mslot],
                out_hbm.at[b, pl.ds(col0 + i * CH, CH)], hsem.at[mslot])

        def wait_out(mslot):
            pltpu.make_async_copy(
                spm.at[sid, mslot],
                out_hbm.at[b, pl.ds(col0, CH)], hsem.at[mslot]).wait()

        for s in range(NBUF - 1):
            start_gather(s, s)

        def body(k, _):
            for s in range(NBUF):
                i = k * NBUF + s
                pslot = (s - 1) % NBUF
                ms = s % MS
                pms = (s - 1) % MS
                wait_gather(s)

                @pl.when(i - MS >= 0)
                def _wh():
                    wait_out(ms)
                start_move(s, ms)

                @pl.when(i - 1 >= 0)
                def _hm():
                    wait_move(pslot, pms)
                    start_out(i - 1, pms)

                @pl.when(i + NBUF - 1 < n_ch)
                def _g():
                    start_gather(i + NBUF - 1, pslot)
            return _
        lax.fori_loop(0, n_ch // NBUF, body, 0)

        last = (n_ch - 1) % NBUF
        wait_move(last, last % MS)
        start_out(n_ch - 1, last % MS)
        for m in range(MS):
            wait_out(m)

    return gather_kernel


def kernel(input_ids, table):
    B, S = input_ids.shape
    V, D = table.shape
    return _make_gather(B, S, V, D)(input_ids, table)

# --- scband reference (transcript-rebuilt; emitter-appended) ---
"""Pipeline reference for scband-pro-gen2-embeddings-17386027614985 (READ-ONLY COPY).

The authoritative reference and input builder live on the scoring server;
editing this copy changes nothing except your own understanding.
"""

import jax, jax.numpy as jnp
import numpy as np

VOCAB = 100000
HID = 768
PAD = 0
B, S = 4, 8192

def setup_inputs(seed: int = 0) -> dict:
    key = jax.random.key(seed)
    k1, k2 = jax.random.split(key)
    input_ids = jax.random.randint(k1, (B, S), 0, VOCAB, dtype=jnp.int32)
    table = jax.random.normal(k2, (VOCAB, HID), dtype=jnp.float32) * 0.02
    # padding_idx row is zero-initialized in nn.Embedding
    table = table.at[PAD].set(0.0)
    return {"input_ids": input_ids, "table": table}

def reference(input_ids, table):
    # ProGen2Embeddings.forward with inputs_embeds=None:
    #   inputs_embeds = word_embeddings(input_ids); dropout (p=0.0 / eval -> identity)
    inputs_embeds = jnp.take(table, input_ids, axis=0)
    return inputs_embeds

if __name__ == "__main__":
    import jax
    _d = setup_inputs()
    print(jax.jit(kernel)(*tuple(_d.values())))

</pallas_src>

<mosaic_0001>
#map = affine_map<(d0, d1) -> (0, 0)>
#map1 = affine_map<(d0, d1) -> (0, 0, 0)>
module attributes {stable_mosaic.version = 14 : i64} {
  func.func @gather_kernel(%arg0: i32, %arg1: i32, %arg2: memref<4x8192xi32, #tpu.memory_space<hbm>>, %arg3: memref<100000x768xf32, #tpu.memory_space<hbm>>, %arg4: memref<4x8192x768xf32, #tpu.memory_space<hbm>>, %arg5: memref<1024xi32, #tpu.memory_space<vmem>>, %arg6: memref<64x768xf32, #tpu.memory_space<vmem>>, %arg7: memref<16x2x16x768xf32, #tpu.memory_space<vmem_shared>>, %arg8: memref<4x!tpu.dma_semaphore, #tpu.memory_space<semaphore_mem>>, %arg9: memref<2x!tpu.dma_semaphore, #tpu.memory_space<semaphore_mem>>, %arg10: memref<2x!tpu.dma_semaphore, #tpu.memory_space<semaphore_mem>>) attributes {dimension_semantics = [#tpu.dimension_semantics<core_parallel>, #tpu.dimension_semantics<subcore_parallel>], iteration_bounds = array<i64: 2, 16>, scalar_prefetch = 0 : i64, scratch_operands = 6 : i64, tpu.core_type = #tpu.core_type<sc_vector_subcore>, window_params = [{transform_indices = #map}, {transform_indices = #map}, {transform_indices = #map1}]} {
    %mul3A = arith.constant 2 : i32
    %mul3A_0 = arith.muli %arg1, %mul3A : i32
    %add3A = arith.addi %mul3A_0, %arg0 : i32
    %jit3A = arith.constant 8 : i32
    %div3A = arith.divsi %add3A, %jit3A : i32
    %sign3A = arith.constant 0 : i32
    %sign3A_1 = arith.cmpi sgt, %add3A, %sign3A : i32
    %sign3A_2 = arith.extui %sign3A_1 : i1 to i32
    %sign3A_3 = arith.constant 0 : i32
    %sign3A_4 = arith.cmpi slt, %add3A, %sign3A_3 : i32
    %sign3A_5 = arith.extui %sign3A_4 : i1 to i32
    %sign3A_6 = arith.subi %sign3A_2, %sign3A_5 : i32
    %sign3A_7 = arith.constant 0 : i32
    %sign3A_8 = arith.cmpi sgt, %jit3A, %sign3A_7 : i32
    %sign3A_9 = arith.extui %sign3A_8 : i1 to i32
    %sign3A_10 = arith.constant 0 : i32
    %sign3A_11 = arith.cmpi slt, %jit3A, %sign3A_10 : i32
    %sign3A_12 = arith.extui %sign3A_11 : i1 to i32
    %sign3A_13 = arith.subi %sign3A_9, %sign3A_12 : i32
    %ne3A = arith.cmpi ne, %sign3A_6, %sign3A_13 : i32
    %rem3A = arith.remsi %add3A, %jit3A : i32
    %ne3A_14 = arith.constant 0 : i32
    %ne3A_15 = arith.cmpi ne, %rem3A, %ne3A_14 : i32
    %and3A = arith.andi %ne3A, %ne3A_15 : i1
    %sub3A = arith.constant 1 : i32
    %sub3A_16 = arith.subi %div3A, %sub3A : i32
    %select_n3A = arith.select %and3A, %sub3A_16, %div3A : i32
    %jit3A_17 = arith.constant 8 : i32
    %eq3A = arith.constant 0 : i32
    %eq3A_18 = arith.cmpi eq, %jit3A_17, %eq3A : i32
    %jit3A_19 = arith.constant 1 : i32
    %select_n3A_20 = arith.select %eq3A_18, %jit3A_19, %jit3A_17 : i32
    %rem3A_21 = arith.remsi %add3A, %select_n3A_20 : i32
    %ne3A_22 = arith.constant 0 : i32
    %ne3A_23 = arith.cmpi ne, %rem3A_21, %ne3A_22 : i32
    %lt3A = arith.constant 0 : i32
    %lt3A_24 = arith.cmpi slt, %rem3A_21, %lt3A : i32
    %lt3A_25 = arith.constant 0 : i32
    %lt3A_26 = arith.cmpi slt, %select_n3A_20, %lt3A_25 : i32
    %ne3A_27 = arith.xori %lt3A_24, %lt3A_26 : i1
    %and3A_28 = arith.andi %ne3A_27, %ne3A_23 : i1
    %add3A_29 = arith.addi %rem3A_21, %select_n3A_20 : i32
    %select_n3A_30 = arith.select %and3A_28, %add3A_29, %rem3A_21 : i32
    %mul3A_31 = arith.constant 1024 : i32
    %mul3A_32 = arith.muli %select_n3A_30, %mul3A_31 : i32
    "tpu.region"() ({
      %run_scoped3A = tpu.sem_alloc : memref<!tpu.dma_semaphore, #tpu.memory_space<semaphore_mem>>
      %dma_start3A_122 = tpu.memref_slice %arg2[%select_n3A, %mul3A_32] : memref<4x8192xi32, #tpu.memory_space<hbm>> -> memref<1x1024xi32, #tpu.memory_space<hbm>>
      %dma_start3A_123 = tpu.memref_squeeze %dma_start3A_122 : memref<1x1024xi32, #tpu.memory_space<hbm>> -> memref<1024xi32, #tpu.memory_space<hbm>>
      %dma_start3A_124 = tpu.memref_slice %arg2[%select_n3A, %mul3A_32] : memref<4x8192xi32, #tpu.memory_space<hbm>> -> memref<1x1024xi32, #tpu.memory_space<hbm>>
      %dma_start3A_125 = tpu.memref_squeeze %dma_start3A_124 : memref<1x1024xi32, #tpu.memory_space<hbm>> -> memref<1024xi32, #tpu.memory_space<hbm>>
      tpu.enqueue_dma source(%dma_start3A_125 : memref<1024xi32, #tpu.memory_space<hbm>>) target(%arg5 : memref<1024xi32, #tpu.memory_space<vmem>>) target_semaphore(%run_scoped3A : memref<!tpu.dma_semaphore, #tpu.memory_space<semaphore_mem>>)
      %dma_wait3A_126 = tpu.memref_slice %arg2[%select_n3A, %mul3A_32] : memref<4x8192xi32, #tpu.memory_space<hbm>> -> memref<1x1024xi32, #tpu.memory_space<hbm>>
      %dma_wait3A_127 = tpu.memref_squeeze %dma_wait3A_126 : memref<1x1024xi32, #tpu.memory_space<hbm>> -> memref<1024xi32, #tpu.memory_space<hbm>>
      %dma_wait3A_128 = tpu.memref_slice %arg2[%select_n3A, %mul3A_32] : memref<4x8192xi32, #tpu.memory_space<hbm>> -> memref<1x1024xi32, #tpu.memory_space<hbm>>
      %dma_wait3A_129 = tpu.memref_squeeze %dma_wait3A_128 : memref<1x1024xi32, #tpu.memory_space<hbm>> -> memref<1024xi32, #tpu.memory_space<hbm>>
      tpu.wait_dma2 semaphore(%run_scoped3A : memref<!tpu.dma_semaphore, #tpu.memory_space<semaphore_mem>>) src(%dma_wait3A_129 : memref<1024xi32, #tpu.memory_space<hbm>>) dst(%arg5 : memref<1024xi32, #tpu.memory_space<vmem>>)
      tpu.yield
    }) : () -> ()
    %dma_start3A = arith.constant 0 : i32
    %dma_start3A_33 = arith.constant 0 : i32
    %dma_start3A_34 = arith.constant 0 : i32
    %dma_start3A_35 = tpu.memref_slice %arg6[%dma_start3A_33, %dma_start3A_34] : memref<64x768xf32, #tpu.memory_space<vmem>> -> memref<16x768xf32, #tpu.memory_space<vmem>>
    %dma_start3A_36 = arith.constant 0 : i32
    %dma_start3A_37 = tpu.memref_slice %arg5[%dma_start3A_36] : memref<1024xi32, #tpu.memory_space<vmem>> -> memref<16xi32, #tpu.memory_space<vmem>>
    %dma_start3A_38 = arith.constant 0 : i32
    %dma_start3A_39 = arith.constant 0 : i32
    %dma_start3A_40 = tpu.memref_slice %arg3[%dma_start3A_38, %dma_start3A_39] : memref<100000x768xf32, #tpu.memory_space<hbm>> -> memref<100000x768xf32, #tpu.memory_space<hbm>>
    %dma_start3A_41 = tpu.memref_slice %arg8[%dma_start3A] : memref<4x!tpu.dma_semaphore, #tpu.memory_space<semaphore_mem>> -> memref<1x!tpu.dma_semaphore, #tpu.memory_space<semaphore_mem>>
    %dma_start3A_42 = tpu.memref_squeeze %dma_start3A_41 : memref<1x!tpu.dma_semaphore, #tpu.memory_space<semaphore_mem>> -> memref<!tpu.dma_semaphore, #tpu.memory_space<semaphore_mem>>
    tpu.enqueue_indirect_dma source(%dma_start3A_40 : memref<100000x768xf32, #tpu.memory_space<hbm>>) target(%dma_start3A_35 : memref<16x768xf32, #tpu.memory_space<vmem>>) offsets(%dma_start3A_37 : memref<16xi32, #tpu.memory_space<vmem>>) semaphore(%dma_start3A_42 : memref<!tpu.dma_semaphore, #tpu.memory_space<semaphore_mem>>)
    %dma_start3A_43 = arith.constant 1 : i32
    %dma_start3A_44 = arith.constant 16 : i32
    %dma_start3A_45 = arith.constant 0 : i32
    %dma_start3A_46 = tpu.memref_slice %arg6[%dma_start3A_44, %dma_start3A_45] : memref<64x768xf32, #tpu.memory_space<vmem>> -> memref<16x768xf32, #tpu.memory_space<vmem>>
    %dma_start3A_47 = arith.constant 16 : i32
    %dma_start3A_48 = tpu.memref_slice %arg5[%dma_start3A_47] : memref<1024xi32, #tpu.memory_space<vmem>> -> memref<16xi32, #tpu.memory_space<vmem>>
    %dma_start3A_49 = arith.constant 0 : i32
    %dma_start3A_50 = arith.constant 0 : i32
    %dma_start3A_51 = tpu.memref_slice %arg3[%dma_start3A_49, %dma_start3A_50] : memref<100000x768xf32, #tpu.memory_space<hbm>> -> memref<100000x768xf32, #tpu.memory_space<hbm>>
    %dma_start3A_52 = tpu.memref_slice %arg8[%dma_start3A_43] : memref<4x!tpu.dma_semaphore, #tpu.memory_space<semaphore_mem>> -> memref<1x!tpu.dma_semaphore, #tpu.memory_space<semaphore_mem>>
    %dma_start3A_53 = tpu.memref_squeeze %dma_start3A_52 : memref<1x!tpu.dma_semaphore, #tpu.memory_space<semaphore_mem>> -> memref<!tpu.dma_semaphore, #tpu.memory_space<semaphore_mem>>
    tpu.enqueue_indirect_dma source(%dma_start3A_51 : memref<100000x768xf32, #tpu.memory_space<hbm>>) target(%dma_start3A_46 : memref<16x768xf32, #tpu.memory_space<vmem>>) offsets(%dma_start3A_48 : memref<16xi32, #tpu.memory_space<vmem>>) semaphore(%dma_start3A_53 : memref<!tpu.dma_semaphore, #tpu.memory_space<semaphore_mem>>)
    %dma_start3A_54 = arith.constant 2 : i32
    %dma_start3A_55 = arith.constant 32 : i32
    %dma_start3A_56 = arith.constant 0 : i32
    %dma_start3A_57 = tpu.memref_slice %arg6[%dma_start3A_55, %dma_start3A_56] : memref<64x768xf32, #tpu.memory_space<vmem>> -> memref<16x768xf32, #tpu.memory_space<vmem>>
    %dma_start3A_58 = arith.constant 32 : i32
    %dma_start3A_59 = tpu.memref_slice %arg5[%dma_start3A_58] : memref<1024xi32, #tpu.memory_space<vmem>> -> memref<16xi32, #tpu.memory_space<vmem>>
    %dma_start3A_60 = arith.constant 0 : i32
    %dma_start3A_61 = arith.constant 0 : i32
    %dma_start3A_62 = tpu.memref_slice %arg3[%dma_start3A_60, %dma_start3A_61] : memref<100000x768xf32, #tpu.memory_space<hbm>> -> memref<100000x768xf32, #tpu.memory_space<hbm>>
    %dma_start3A_63 = tpu.memref_slice %arg8[%dma_start3A_54] : memref<4x!tpu.dma_semaphore, #tpu.memory_space<semaphore_mem>> -> memref<1x!tpu.dma_semaphore, #tpu.memory_space<semaphore_mem>>
    %dma_start3A_64 = tpu.memref_squeeze %dma_start3A_63 : memref<1x!tpu.dma_semaphore, #tpu.memory_space<semaphore_mem>> -> memref<!tpu.dma_semaphore, #tpu.memory_space<semaphore_mem>>
    tpu.enqueue_indirect_dma source(%dma_start3A_62 : memref<100000x768xf32, #tpu.memory_space<hbm>>) target(%dma_start3A_57 : memref<16x768xf32, #tpu.memory_space<vmem>>) offsets(%dma_start3A_59 : memref<16xi32, #tpu.memory_space<vmem>>) semaphore(%dma_start3A_64 : memref<!tpu.dma_semaphore, #tpu.memory_space<semaphore_mem>>)
    %scan3A = arith.constant 0 : i32
    %scan3A_65 = arith.constant 0 : i32
    %scan3A_66 = arith.constant 16 : i32
    %scan3A_67 = arith.addi %scan3A_65, %scan3A_66 : i32
    %scan3A_68 = arith.constant 1 : i32
    scf.for %scan3A_122 = %scan3A_65 to %scan3A_67 step %scan3A_68  : i32 {
      %mul3A_123 = arith.constant 4 : i32
      %mul3A_124 = arith.muli %scan3A_122, %mul3A_123 : i32
      %add3A_125 = arith.constant 0 : i32
      %add3A_126 = arith.addi %mul3A_124, %add3A_125 : i32
      %dma_wait3A_127 = arith.constant 0 : i32
      %dma_wait3A_128 = arith.constant 0 : i32
      %dma_wait3A_129 = arith.constant 0 : i32
      %dma_wait3A_130 = tpu.memref_slice %arg6[%dma_wait3A_128, %dma_wait3A_129] : memref<64x768xf32, #tpu.memory_space<vmem>> -> memref<16x768xf32, #tpu.memory_space<vmem>>
      %dma_wait3A_131 = arith.constant 0 : i32
      %dma_wait3A_132 = arith.constant 0 : i32
      %dma_wait3A_133 = tpu.memref_slice %arg3[%dma_wait3A_131, %dma_wait3A_132] : memref<100000x768xf32, #tpu.memory_space<hbm>> -> memref<16x768xf32, #tpu.memory_space<hbm>>
      %dma_wait3A_134 = tpu.memref_slice %arg8[%dma_wait3A_127] : memref<4x!tpu.dma_semaphore, #tpu.memory_space<semaphore_mem>> -> memref<1x!tpu.dma_semaphore, #tpu.memory_space<semaphore_mem>>
      %dma_wait3A_135 = tpu.memref_squeeze %dma_wait3A_134 : memref<1x!tpu.dma_semaphore, #tpu.memory_space<semaphore_mem>> -> memref<!tpu.dma_semaphore, #tpu.memory_space<semaphore_mem>>
      %dma_wait3A_136 = arith.constant 0 : i32
      %dma_wait3A_137 = arith.constant 0 : i32
      %dma_wait3A_138 = tpu.memref_slice %arg6[%dma_wait3A_136, %dma_wait3A_137] : memref<64x768xf32, #tpu.memory_space<vmem>> -> memref<16x768xf32, #tpu.memory_space<vmem>>
      %dma_wait3A_139 = arith.constant 0 : i32
      %dma_wait3A_140 = arith.constant 0 : i32
      %dma_wait3A_141 = tpu.memref_slice %arg3[%dma_wait3A_139, %dma_wait3A_140] : memref<100000x768xf32, #tpu.memory_space<hbm>> -> memref<16x768xf32, #tpu.memory_space<hbm>>
      tpu.wait_dma2 semaphore(%dma_wait3A_135 : memref<!tpu.dma_semaphore, #tpu.memory_space<semaphore_mem>>) src(%dma_wait3A_141 : memref<16x768xf32, #tpu.memory_space<hbm>>) dst(%dma_wait3A_138 : memref<16x768xf32, #tpu.memory_space<vmem>>)
      %sub3A_142 = arith.constant 2 : i32
      %sub3A_143 = arith.subi %add3A_126, %sub3A_142 : i32
      %ge3A = arith.constant 0 : i32
      %ge3A_144 = arith.cmpi sge, %sub3A_143, %ge3A : i32
      %convert_element_type3A = arith.extui %ge3A_144 : i1 to i32
      %cond3A = arith.constant 0 : i32
      %cond3A_145 = arith.cmpi ne, %convert_element_type3A, %cond3A : i32
      scf.if %cond3A_145 {
        %dma_wait3A_360 = arith.constant 0 : i32
        %dma_wait3A_361 = arith.constant 0 : i32
        %dma_wait3A_362 = tpu.memref_slice %arg10[%dma_wait3A_361] : memref<2x!tpu.dma_semaphore, #tpu.memory_space<semaphore_mem>> -> memref<1x!tpu.dma_semaphore, #tpu.memory_space<semaphore_mem>>
        %dma_wait3A_363 = tpu.memref_squeeze %dma_wait3A_362 : memref<1x!tpu.dma_semaphore, #tpu.memory_space<semaphore_mem>> -> memref<!tpu.dma_semaphore, #tpu.memory_space<semaphore_mem>>
        %dma_wait3A_364 = arith.constant 0 : i32
        %dma_wait3A_365 = tpu.memref_slice %arg4[%select_n3A, %mul3A_32, %dma_wait3A_364] : memref<4x8192x768xf32, #tpu.memory_space<hbm>> -> memref<1x16x768xf32, #tpu.memory_space<hbm>>
        %dma_wait3A_366 = tpu.memref_squeeze %dma_wait3A_365 : memref<1x16x768xf32, #tpu.memory_space<hbm>> -> memref<16x768xf32, #tpu.memory_space<hbm>>
        %dma_wait3A_367 = arith.constant 0 : i32
        %dma_wait3A_368 = arith.constant 0 : i32
        %dma_wait3A_369 = tpu.memref_slice %arg7[%arg1, %dma_wait3A_360, %dma_wait3A_367, %dma_wait3A_368] : memref<16x2x16x768xf32, #tpu.memory_space<vmem_shared>> -> memref<1x1x16x768xf32, #tpu.memory_space<vmem_shared>>
        %dma_wait3A_370 = tpu.memref_squeeze %dma_wait3A_369 : memref<1x1x16x768xf32, #tpu.memory_space<vmem_shared>> -> memref<16x768xf32, #tpu.memory_space<vmem_shared>>
        tpu.wait_dma2 semaphore(%dma_wait3A_363 : memref<!tpu.dma_semaphore, #tpu.memory_space<semaphore_mem>>) src(%dma_wait3A_370 : memref<16x768xf32, #tpu.memory_space<vmem_shared>>) dst(%dma_wait3A_366 : memref<16x768xf32, #tpu.memory_space<hbm>>)
      } else {
      }
      %dma_start3A_146 = arith.constant 0 : i32
      %dma_start3A_147 = arith.constant 0 : i32
      %dma_start3A_148 = arith.constant 0 : i32
      %dma_start3A_149 = arith.constant 0 : i32
      %dma_start3A_150 = tpu.memref_slice %arg6[%dma_start3A_148, %dma_start3A_149] : memref<64x768xf32, #tpu.memory_space<vmem>> -> memref<16x768xf32, #tpu.memory_space<vmem>>
      %dma_start3A_151 = arith.constant 0 : i32
      %dma_start3A_152 = arith.constant 0 : i32
      %dma_start3A_153 = tpu.memref_slice %arg7[%arg1, %dma_start3A_146, %dma_start3A_151, %dma_start3A_152] : memref<16x2x16x768xf32, #tpu.memory_space<vmem_shared>> -> memref<1x1x16x768xf32, #tpu.memory_space<vmem_shared>>
      %dma_start3A_154 = tpu.memref_squeeze %dma_start3A_153 : memref<1x1x16x768xf32, #tpu.memory_space<vmem_shared>> -> memref<16x768xf32, #tpu.memory_space<vmem_shared>>
      %dma_start3A_155 = tpu.memref_slice %arg9[%dma_start3A_147] : memref<2x!tpu.dma_semaphore, #tpu.memory_space<semaphore_mem>> -> memref<1x!tpu.dma_semaphore, #tpu.memory_space<semaphore_mem>>
      %dma_start3A_156 = tpu.memref_squeeze %dma_start3A_155 : memref<1x!tpu.dma_semaphore, #tpu.memory_space<semaphore_mem>> -> memref<!tpu.dma_semaphore, #tpu.memory_space<semaphore_mem>>
      %dma_start3A_157 = arith.constant 0 : i32
      %dma_start3A_158 = arith.constant 0 : i32
      %dma_start3A_159 = tpu.memref_slice %arg7[%arg1, %dma_start3A_146, %dma_start3A_157, %dma_start3A_158] : memref<16x2x16x768xf32, #tpu.memory_space<vmem_shared>> -> memref<1x1x16x768xf32, #tpu.memory_space<vmem_shared>>
      %dma_start3A_160 = tpu.memref_squeeze %dma_start3A_159 : memref<1x1x16x768xf32, #tpu.memory_space<vmem_shared>> -> memref<16x768xf32, #tpu.memory_space<vmem_shared>>
      %dma_start3A_161 = arith.constant 0 : i32
      %dma_start3A_162 = arith.constant 0 : i32
      %dma_start3A_163 = tpu.memref_slice %arg6[%dma_start3A_161, %dma_start3A_162] : memref<64x768xf32, #tpu.memory_space<vmem>> -> memref<16x768xf32, #tpu.memory_space<vmem>>
      tpu.enqueue_dma source(%dma_start3A_163 : memref<16x768xf32, #tpu.memory_space<vmem>>) target(%dma_start3A_160 : memref<16x768xf32, #tpu.memory_space<vmem_shared>>) target_semaphore(%dma_start3A_156 : memref<!tpu.dma_semaphore, #tpu.memory_space<semaphore_mem>>)
      %sub3A_164 = arith.constant 1 : i32
      %sub3A_165 = arith.subi %add3A_126, %sub3A_164 : i32
      %ge3A_166 = arith.constant 0 : i32
      %ge3A_167 = arith.cmpi sge, %sub3A_165, %ge3A_166 : i32
      %convert_element_type3A_168 = arith.extui %ge3A_167 : i1 to i32
      %cond3A_169 = arith.constant 0 : i32
      %cond3A_170 = arith.cmpi ne, %convert_element_type3A_168, %cond3A_169 : i32
      scf.if %cond3A_170 {
        %dma_wait3A_360 = arith.constant 1 : i32
        %dma_wait3A_361 = arith.constant 1 : i32
        %dma_wait3A_362 = arith.constant 48 : i32
        %dma_wait3A_363 = arith.constant 0 : i32
        %dma_wait3A_364 = tpu.memref_slice %arg6[%dma_wait3A_362, %dma_wait3A_363] : memref<64x768xf32, #tpu.memory_space<vmem>> -> memref<16x768xf32, #tpu.memory_space<vmem>>
        %dma_wait3A_365 = arith.constant 0 : i32
        %dma_wait3A_366 = arith.constant 0 : i32
        %dma_wait3A_367 = tpu.memref_slice %arg7[%arg1, %dma_wait3A_360, %dma_wait3A_365, %dma_wait3A_366] : memref<16x2x16x768xf32, #tpu.memory_space<vmem_shared>> -> memref<1x1x16x768xf32, #tpu.memory_space<vmem_shared>>
        %dma_wait3A_368 = tpu.memref_squeeze %dma_wait3A_367 : memref<1x1x16x768xf32, #tpu.memory_space<vmem_shared>> -> memref<16x768xf32, #tpu.memory_space<vmem_shared>>
        %dma_wait3A_369 = tpu.memref_slice %arg9[%dma_wait3A_361] : memref<2x!tpu.dma_semaphore, #tpu.memory_space<semaphore_mem>> -> memref<1x!tpu.dma_semaphore, #tpu.memory_space<semaphore_mem>>
        %dma_wait3A_370 = tpu.memref_squeeze %dma_wait3A_369 : memref<1x!tpu.dma_semaphore, #tpu.memory_space<semaphore_mem>> -> memref<!tpu.dma_semaphore, #tpu.memory_space<semaphore_mem>>
        %dma_wait3A_371 = arith.constant 0 : i32
        %dma_wait3A_372 = arith.constant 0 : i32
        %dma_wait3A_373 = tpu.memref_slice %arg7[%arg1, %dma_wait3A_360, %dma_wait3A_371, %dma_wait3A_372] : memref<16x2x16x768xf32, #tpu.memory_space<vmem_shared>> -> memref<1x1x16x768xf32, #tpu.memory_space<vmem_shared>>
        %dma_wait3A_374 = tpu.memref_squeeze %dma_wait3A_373 : memref<1x1x16x768xf32, #tpu.memory_space<vmem_shared>> -> memref<16x768xf32, #tpu.memory_space<vmem_shared>>
        %dma_wait3A_375 = arith.constant 48 : i32
        %dma_wait3A_376 = arith.constant 0 : i32
        %dma_wait3A_377 = tpu.memref_slice %arg6[%dma_wait3A_375, %dma_wait3A_376] : memref<64x768xf32, #tpu.memory_space<vmem>> -> memref<16x768xf32, #tpu.memory_space<vmem>>
        tpu.wait_dma2 semaphore(%dma_wait3A_370 : memref<!tpu.dma_semaphore, #tpu.memory_space<semaphore_mem>>) src(%dma_wait3A_377 : memref<16x768xf32, #tpu.memory_space<vmem>>) dst(%dma_wait3A_374 : memref<16x768xf32, #tpu.memory_space<vmem_shared>>)
        %sub3A_378 = arith.constant 1 : i32
        %sub3A_379 = arith.subi %add3A_126, %sub3A_378 : i32
        %mul3A_380 = arith.constant 16 : i32
        %mul3A_381 = arith.muli %sub3A_379, %mul3A_380 : i32
        %add3A_382 = arith.addi %mul3A_32, %mul3A_381 : i32
        %dma_start3A_383 = arith.constant 1 : i32
        %dma_start3A_384 = arith.constant 1 : i32
        %dma_start3A_385 = tpu.memref_slice %arg10[%dma_start3A_384] : memref<2x!tpu.dma_semaphore, #tpu.memory_space<semaphore_mem>> -> memref<1x!tpu.dma_semaphore, #tpu.memory_space<semaphore_mem>>
        %dma_start3A_386 = tpu.memref_squeeze %dma_start3A_385 : memref<1x!tpu.dma_semaphore, #tpu.memory_space<semaphore_mem>> -> memref<!tpu.dma_semaphore, #tpu.memory_space<semaphore_mem>>
        %dma_start3A_387 = arith.constant 0 : i32
        %dma_start3A_388 = tpu.memref_slice %arg4[%select_n3A, %add3A_382, %dma_start3A_387] : memref<4x8192x768xf32, #tpu.memory_space<hbm>> -> memref<1x16x768xf32, #tpu.memory_space<hbm>>
        %dma_start3A_389 = tpu.memref_squeeze %dma_start3A_388 : memref<1x16x768xf32, #tpu.memory_space<hbm>> -> memref<16x768xf32, #tpu.memory_space<hbm>>
        %dma_start3A_390 = arith.constant 0 : i32
        %dma_start3A_391 = arith.constant 0 : i32
        %dma_start3A_392 = tpu.memref_slice %arg7[%arg1, %dma_start3A_383, %dma_start3A_390, %dma_start3A_391] : memref<16x2x16x768xf32, #tpu.memory_space<vmem_shared>> -> memref<1x1x16x768xf32, #tpu.memory_space<vmem_shared>>
        %dma_start3A_393 = tpu.memref_squeeze %dma_start3A_392 : memref<1x1x16x768xf32, #tpu.memory_space<vmem_shared>> -> memref<16x768xf32, #tpu.memory_space<vmem_shared>>
        tpu.enqueue_dma source(%dma_start3A_393 : memref<16x768xf32, #tpu.memory_space<vmem_shared>>) target(%dma_start3A_389 : memref<16x768xf32, #tpu.memory_space<hbm>>) target_semaphore(%dma_start3A_386 : memref<!tpu.dma_semaphore, #tpu.memory_space<semaphore_mem>>)
      } else {
      }
      %add3A_171 = arith.constant 4 : i32
      %add3A_172 = arith.addi %add3A_126, %add3A_171 : i32
      %sub3A_173 = arith.constant 1 : i32
      %sub3A_174 = arith.subi %add3A_172, %sub3A_173 : i32
      %lt3A_175 = arith.constant 64 : i32
      %lt3A_176 = arith.cmpi slt, %sub3A_174, %lt3A_175 : i32
      %convert_element_type3A_177 = arith.extui %lt3A_176 : i1 to i32
      %cond3A_178 = arith.constant 0 : i32
      %cond3A_179 = arith.cmpi ne, %convert_element_type3A_177, %cond3A_178 : i32
      scf.if %cond3A_179 {
        %add3A_360 = arith.constant 4 : i32
        %add3A_361 = arith.addi %add3A_126, %add3A_360 : i32
        %sub3A_362 = arith.constant 1 : i32
        %sub3A_363 = arith.subi %add3A_361, %sub3A_362 : i32
        %mul3A_364 = arith.constant 16 : i32
        %mul3A_365 = arith.muli %sub3A_363, %mul3A_364 : i32
        %dma_start3A_366 = arith.constant 3 : i32
        %dma_start3A_367 = arith.constant 48 : i32
        %dma_start3A_368 = arith.constant 0 : i32
        %dma_start3A_369 = tpu.memref_slice %arg6[%dma_start3A_367, %dma_start3A_368] : memref<64x768xf32, #tpu.memory_space<vmem>> -> memref<16x768xf32, #tpu.memory_space<vmem>>
        %dma_start3A_370 = tpu.memref_slice %arg5[%mul3A_365] : memref<1024xi32, #tpu.memory_space<vmem>> -> memref<16xi32, #tpu.memory_space<vmem>>
        %dma_start3A_371 = arith.constant 0 : i32
        %dma_start3A_372 = arith.constant 0 : i32
        %dma_start3A_373 = tpu.memref_slice %arg3[%dma_start3A_371, %dma_start3A_372] : memref<100000x768xf32, #tpu.memory_space<hbm>> -> memref<100000x768xf32, #tpu.memory_space<hbm>>
        %dma_start3A_374 = tpu.memref_slice %arg8[%dma_start3A_366] : memref<4x!tpu.dma_semaphore, #tpu.memory_space<semaphore_mem>> -> memref<1x!tpu.dma_semaphore, #tpu.memory_space<semaphore_mem>>
        %dma_start3A_375 = tpu.memref_squeeze %dma_start3A_374 : memref<1x!tpu.dma_semaphore, #tpu.memory_space<semaphore_mem>> -> memref<!tpu.dma_semaphore, #tpu.memory_space<semaphore_mem>>
        tpu.enqueue_indirect_dma source(%dma_start3A_373 : memref<100000x768xf32, #tpu.memory_space<hbm>>) target(%dma_start3A_369 : memref<16x768xf32, #tpu.memory_space<vmem>>) offsets(%dma_start3A_370 : memref<16xi32, #tpu.memory_space<vmem>>) semaphore(%dma_start3A_375 : memref<!tpu.dma_semaphore, #tpu.memory_space<semaphore_mem>>)
      } else {
      }
      %mul3A_180 = arith.constant 4 : i32
      %mul3A_181 = arith.muli %scan3A_122, %mul3A_180 : i32
      %add3A_182 = arith.constant 1 : i32
      %add3A_183 = arith.addi %mul3A_181, %add3A_182 : i32
      %dma_wait3A_184 = arith.constant 1 : i32
      %dma_wait3A_185 = arith.constant 16 : i32
      %dma_wait3A_186 = arith.constant 0 : i32
      %dma_wait3A_187 = tpu.memref_slice %arg6[%dma_wait3A_185, %dma_wait3A_186] : memref<64x768xf32, #tpu.memory_space<vmem>> -> memref<16x768xf32, #tpu.memory_space<vmem>>
      %dma_wait3A_188 = arith.constant 0 : i32
      %dma_wait3A_189 = arith.constant 0 : i32
      %dma_wait3A_190 = tpu.memref_slice %arg3[%dma_wait3A_188, %dma_wait3A_189] : memref<100000x768xf32, #tpu.memory_space<hbm>> -> memref<16x768xf32, #tpu.memory_space<hbm>>
      %dma_wait3A_191 = tpu.memref_slice %arg8[%dma_wait3A_184] : memref<4x!tpu.dma_semaphore, #tpu.memory_space<semaphore_mem>> -> memref<1x!tpu.dma_semaphore, #tpu.memory_space<semaphore_mem>>
      %dma_wait3A_192 = tpu.memref_squeeze %dma_wait3A_191 : memref<1x!tpu.dma_semaphore, #tpu.memory_space<semaphore_mem>> -> memref<!tpu.dma_semaphore, #tpu.memory_space<semaphore_mem>>
      %dma_wait3A_193 = arith.constant 16 : i32
      %dma_wait3A_194 = arith.constant 0 : i32
      %dma_wait3A_195 = tpu.memref_slice %arg6[%dma_wait3A_193, %dma_wait3A_194] : memref<64x768xf32, #tpu.memory_space<vmem>> -> memref<16x768xf32, #tpu.memory_space<vmem>>
      %dma_wait3A_196 = arith.constant 0 : i32
      %dma_wait3A_197 = arith.constant 0 : i32
      %dma_wait3A_198 = tpu.memref_slice %arg3[%dma_wait3A_196, %dma_wait3A_197] : memref<100000x768xf32, #tpu.memory_space<hbm>> -> memref<16x768xf32, #tpu.memory_space<hbm>>
      tpu.wait_dma2 semaphore(%dma_wait3A_192 : memref<!tpu.dma_semaphore, #tpu.memory_space<semaphore_mem>>) src(%dma_wait3A_198 : memref<16x768xf32, #tpu.memory_space<hbm>>) dst(%dma_wait3A_195 : memref<16x768xf32, #tpu.memory_space<vmem>>)
      %sub3A_199 = arith.constant 2 : i32
      %sub3A_200 = arith.subi %add3A_183, %sub3A_199 : i32
      %ge3A_201 = arith.constant 0 : i32
      %ge3A_202 = arith.cmpi sge, %sub3A_200, %ge3A_201 : i32
      %convert_element_type3A_203 = arith.extui %ge3A_202 : i1 to i32
      %cond3A_204 = arith.constant 0 : i32
      %cond3A_205 = arith.cmpi ne, %convert_element_type3A_203, %cond3A_204 : i32
      scf.if %cond3A_205 {
        %dma_wait3A_360 = arith.constant 1 : i32
        %dma_wait3A_361 = arith.constant 1 : i32
        %dma_wait3A_362 = tpu.memref_slice %arg10[%dma_wait3A_361] : memref<2x!tpu.dma_semaphore, #tpu.memory_space<semaphore_mem>> -> memref<1x!tpu.dma_semaphore, #tpu.memory_space<semaphore_mem>>
        %dma_wait3A_363 = tpu.memref_squeeze %dma_wait3A_362 : memref<1x!tpu.dma_semaphore, #tpu.memory_space<semaphore_mem>> -> memref<!tpu.dma_semaphore, #tpu.memory_space<semaphore_mem>>
        %dma_wait3A_364 = arith.constant 0 : i32
        %dma_wait3A_365 = tpu.memref_slice %arg4[%select_n3A, %mul3A_32, %dma_wait3A_364] : memref<4x8192x768xf32, #tpu.memory_space<hbm>> -> memref<1x16x768xf32, #tpu.memory_space<hbm>>
        %dma_wait3A_366 = tpu.memref_squeeze %dma_wait3A_365 : memref<1x16x768xf32, #tpu.memory_space<hbm>> -> memref<16x768xf32, #tpu.memory_space<hbm>>
        %dma_wait3A_367 = arith.constant 0 : i32
        %dma_wait3A_368 = arith.constant 0 : i32
        %dma_wait3A_369 = tpu.memref_slice %arg7[%arg1, %dma_wait3A_360, %dma_wait3A_367, %dma_wait3A_368] : memref<16x2x16x768xf32, #tpu.memory_space<vmem_shared>> -> memref<1x1x16x768xf32, #tpu.memory_space<vmem_shared>>
        %dma_wait3A_370 = tpu.memref_squeeze %dma_wait3A_369 : memref<1x1x16x768xf32, #tpu.memory_space<vmem_shared>> -> memref<16x768xf32, #tpu.memory_space<vmem_shared>>
        tpu.wait_dma2 semaphore(%dma_wait3A_363 : memref<!tpu.dma_semaphore, #tpu.memory_space<semaphore_mem>>) src(%dma_wait3A_370 : memref<16x768xf32, #tpu.memory_space<vmem_shared>>) dst(%dma_wait3A_366 : memref<16x768xf32, #tpu.memory_space<hbm>>)
      } else {
      }
      %dma_start3A_206 = arith.constant 1 : i32
      %dma_start3A_207 = arith.constant 1 : i32
      %dma_start3A_208 = arith.constant 16 : i32
      %dma_start3A_209 = arith.constant 0 : i32
      %dma_start3A_210 = tpu.memref_slice %arg6[%dma_start3A_208, %dma_start3A_209] : memref<64x768xf32, #tpu.memory_space<vmem>> -> memref<16x768xf32, #tpu.memory_space<vmem>>
      %dma_start3A_211 = arith.constant 0 : i32
      %dma_start3A_212 = arith.constant 0 : i32
      %dma_start3A_213 = tpu.memref_slice %arg7[%arg1, %dma_start3A_206, %dma_start3A_211, %dma_start3A_212] : memref<16x2x16x768xf32, #tpu.memory_space<vmem_shared>> -> memref<1x1x16x768xf32, #tpu.memory_space<vmem_shared>>
      %dma_start3A_214 = tpu.memref_squeeze %dma_start3A_213 : memref<1x1x16x768xf32, #tpu.memory_space<vmem_shared>> -> memref<16x768xf32, #tpu.memory_space<vmem_shared>>
      %dma_start3A_215 = tpu.memref_slice %arg9[%dma_start3A_207] : memref<2x!tpu.dma_semaphore, #tpu.memory_space<semaphore_mem>> -> memref<1x!tpu.dma_semaphore, #tpu.memory_space<semaphore_mem>>
      %dma_start3A_216 = tpu.memref_squeeze %dma_start3A_215 : memref<1x!tpu.dma_semaphore, #tpu.memory_space<semaphore_mem>> -> memref<!tpu.dma_semaphore, #tpu.memory_space<semaphore_mem>>
      %dma_start3A_217 = arith.constant 0 : i32
      %dma_start3A_218 = arith.constant 0 : i32
      %dma_start3A_219 = tpu.memref_slice %arg7[%arg1, %dma_start3A_206, %dma_start3A_217, %dma_start3A_218] : memref<16x2x16x768xf32, #tpu.memory_space<vmem_shared>> -> memref<1x1x16x768xf32, #tpu.memory_space<vmem_shared>>
      %dma_start3A_220 = tpu.memref_squeeze %dma_start3A_219 : memref<1x1x16x768xf32, #tpu.memory_space<vmem_shared>> -> memref<16x768xf32, #tpu.memory_space<vmem_shared>>
      %dma_start3A_221 = arith.constant 16 : i32
      %dma_start3A_222 = arith.constant 0 : i32
      %dma_start3A_223 = tpu.memref_slice %arg6[%dma_start3A_221, %dma_start3A_222] : memref<64x768xf32, #tpu.memory_space<vmem>> -> memref<16x768xf32, #tpu.memory_space<vmem>>
      tpu.enqueue_dma source(%dma_start3A_223 : memref<16x768xf32, #tpu.memory_space<vmem>>) target(%dma_start3A_220 : memref<16x768xf32, #tpu.memory_space<vmem_shared>>) target_semaphore(%dma_start3A_216 : memref<!tpu.dma_semaphore, #tpu.memory_space<semaphore_mem>>)
      %sub3A_224 = arith.constant 1 : i32
      %sub3A_225 = arith.subi %add3A_183, %sub3A_224 : i32
      %ge3A_226 = arith.constant 0 : i32
      %ge3A_227 = arith.cmpi sge, %sub3A_225, %ge3A_226 : i32
      %convert_element_type3A_228 = arith.extui %ge3A_227 : i1 to i32
      %cond3A_229 = arith.constant 0 : i32
      %cond3A_230 = arith.cmpi ne, %convert_element_type3A_228, %cond3A_229 : i32
      scf.if %cond3A_230 {
        %dma_wait3A_360 = arith.constant 0 : i32
        %dma_wait3A_361 = arith.constant 0 : i32
        %dma_wait3A_362 = arith.constant 0 : i32
        %dma_wait3A_363 = arith.constant 0 : i32
        %dma_wait3A_364 = tpu.memref_slice %arg6[%dma_wait3A_362, %dma_wait3A_363] : memref<64x768xf32, #tpu.memory_space<vmem>> -> memref<16x768xf32, #tpu.memory_space<vmem>>
        %dma_wait3A_365 = arith.constant 0 : i32
        %dma_wait3A_366 = arith.constant 0 : i32
        %dma_wait3A_367 = tpu.memref_slice %arg7[%arg1, %dma_wait3A_360, %dma_wait3A_365, %dma_wait3A_366] : memref<16x2x16x768xf32, #tpu.memory_space<vmem_shared>> -> memref<1x1x16x768xf32, #tpu.memory_space<vmem_shared>>
        %dma_wait3A_368 = tpu.memref_squeeze %dma_wait3A_367 : memref<1x1x16x768xf32, #tpu.memory_space<vmem_shared>> -> memref<16x768xf32, #tpu.memory_space<vmem_shared>>
        %dma_wait3A_369 = tpu.memref_slice %arg9[%dma_wait3A_361] : memref<2x!tpu.dma_semaphore, #tpu.memory_space<semaphore_mem>> -> memref<1x!tpu.dma_semaphore, #tpu.memory_space<semaphore_mem>>
        %dma_wait3A_370 = tpu.memref_squeeze %dma_wait3A_369 : memref<1x!tpu.dma_semaphore, #tpu.memory_space<semaphore_mem>> -> memref<!tpu.dma_semaphore, #tpu.memory_space<semaphore_mem>>
        %dma_wait3A_371 = arith.constant 0 : i32
        %dma_wait3A_372 = arith.constant 0 : i32
        %dma_wait3A_373 = tpu.memref_slice %arg7[%arg1, %dma_wait3A_360, %dma_wait3A_371, %dma_wait3A_372] : memref<16x2x16x768xf32, #tpu.memory_space<vmem_shared>> -> memref<1x1x16x768xf32, #tpu.memory_space<vmem_shared>>
        %dma_wait3A_374 = tpu.memref_squeeze %dma_wait3A_373 : memref<1x1x16x768xf32, #tpu.memory_space<vmem_shared>> -> memref<16x768xf32, #tpu.memory_space<vmem_shared>>
        %dma_wait3A_375 = arith.constant 0 : i32
        %dma_wait3A_376 = arith.constant 0 : i32
        %dma_wait3A_377 = tpu.memref_slice %arg6[%dma_wait3A_375, %dma_wait3A_376] : memref<64x768xf32, #tpu.memory_space<vmem>> -> memref<16x768xf32, #tpu.memory_space<vmem>>
        tpu.wait_dma2 semaphore(%dma_wait3A_370 : memref<!tpu.dma_semaphore, #tpu.memory_space<semaphore_mem>>) src(%dma_wait3A_377 : memref<16x768xf32, #tpu.memory_space<vmem>>) dst(%dma_wait3A_374 : memref<16x768xf32, #tpu.memory_space<vmem_shared>>)
        %sub3A_378 = arith.constant 1 : i32
        %sub3A_379 = arith.subi %add3A_183, %sub3A_378 : i32
        %mul3A_380 = arith.constant 16 : i32
        %mul3A_381 = arith.muli %sub3A_379, %mul3A_380 : i32
        %add3A_382 = arith.addi %mul3A_32, %mul3A_381 : i32
        %dma_start3A_383 = arith.constant 0 : i32
        %dma_start3A_384 = arith.constant 0 : i32
        %dma_start3A_385 = tpu.memref_slice %arg10[%dma_start3A_384] : memref<2x!tpu.dma_semaphore, #tpu.memory_space<semaphore_mem>> -> memref<1x!tpu.dma_semaphore, #tpu.memory_space<semaphore_mem>>
        %dma_start3A_386 = tpu.memref_squeeze %dma_start3A_385 : memref<1x!tpu.dma_semaphore, #tpu.memory_space<semaphore_mem>> -> memref<!tpu.dma_semaphore, #tpu.memory_space<semaphore_mem>>
        %dma_start3A_387 = arith.constant 0 : i32
        %dma_start3A_388 = tpu.memref_slice %arg4[%select_n3A, %add3A_382, %dma_start3A_387] : memref<4x8192x768xf32, #tpu.memory_space<hbm>> -> memref<1x16x768xf32, #tpu.memory_space<hbm>>
        %dma_start3A_389 = tpu.memref_squeeze %dma_start3A_388 : memref<1x16x768xf32, #tpu.memory_space<hbm>> -> memref<16x768xf32, #tpu.memory_space<hbm>>
        %dma_start3A_390 = arith.constant 0 : i32
        %dma_start3A_391 = arith.constant 0 : i32
        %dma_start3A_392 = tpu.memref_slice %arg7[%arg1, %dma_start3A_383, %dma_start3A_390, %dma_start3A_391] : memref<16x2x16x768xf32, #tpu.memory_space<vmem_shared>> -> memref<1x1x16x768xf32, #tpu.memory_space<vmem_shared>>
        %dma_start3A_393 = tpu.memref_squeeze %dma_start3A_392 : memref<1x1x16x768xf32, #tpu.memory_space<vmem_shared>> -> memref<16x768xf32, #tpu.memory_space<vmem_shared>>
        tpu.enqueue_dma source(%dma_start3A_393 : memref<16x768xf32, #tpu.memory_space<vmem_shared>>) target(%dma_start3A_389 : memref<16x768xf32, #tpu.memory_space<hbm>>) target_semaphore(%dma_start3A_386 : memref<!tpu.dma_semaphore, #tpu.memory_space<semaphore_mem>>)
      } else {
      }
      %add3A_231 = arith.constant 4 : i32
      %add3A_232 = arith.addi %add3A_183, %add3A_231 : i32
      %sub3A_233 = arith.constant 1 : i32
      %sub3A_234 = arith.subi %add3A_232, %sub3A_233 : i32
      %lt3A_235 = arith.constant 64 : i32
      %lt3A_236 = arith.cmpi slt, %sub3A_234, %lt3A_235 : i32
      %convert_element_type3A_237 = arith.extui %lt3A_236 : i1 to i32
      %cond3A_238 = arith.constant 0 : i32
      %cond3A_239 = arith.cmpi ne, %convert_element_type3A_237, %cond3A_238 : i32
      scf.if %cond3A_239 {
        %add3A_360 = arith.constant 4 : i32
        %add3A_361 = arith.addi %add3A_183, %add3A_360 : i32
        %sub3A_362 = arith.constant 1 : i32
        %sub3A_363 = arith.subi %add3A_361, %sub3A_362 : i32
        %mul3A_364 = arith.constant 16 : i32
        %mul3A_365 = arith.muli %sub3A_363, %mul3A_364 : i32
        %dma_start3A_366 = arith.constant 0 : i32
        %dma_start3A_367 = arith.constant 0 : i32
        %dma_start3A_368 = arith.constant 0 : i32
        %dma_start3A_369 = tpu.memref_slice %arg6[%dma_start3A_367, %dma_start3A_368] : memref<64x768xf32, #tpu.memory_space<vmem>> -> memref<16x768xf32, #tpu.memory_space<vmem>>
        %dma_start3A_370 = tpu.memref_slice %arg5[%mul3A_365] : memref<1024xi32, #tpu.memory_space<vmem>> -> memref<16xi32, #tpu.memory_space<vmem>>
        %dma_start3A_371 = arith.constant 0 : i32
        %dma_start3A_372 = arith.constant 0 : i32
        %dma_start3A_373 = tpu.memref_slice %arg3[%dma_start3A_371, %dma_start3A_372] : memref<100000x768xf32, #tpu.memory_space<hbm>> -> memref<100000x768xf32, #tpu.memory_space<hbm>>
        %dma_start3A_374 = tpu.memref_slice %arg8[%dma_start3A_366] : memref<4x!tpu.dma_semaphore, #tpu.memory_space<semaphore_mem>> -> memref<1x!tpu.dma_semaphore, #tpu.memory_space<semaphore_mem>>
        %dma_start3A_375 = tpu.memref_squeeze %dma_start3A_374 : memref<1x!tpu.dma_semaphore, #tpu.memory_space<semaphore_mem>> -> memref<!tpu.dma_semaphore, #tpu.memory_space<semaphore_mem>>
        tpu.enqueue_indirect_dma source(%dma_start3A_373 : memref<100000x768xf32, #tpu.memory_space<hbm>>) target(%dma_start3A_369 : memref<16x768xf32, #tpu.memory_space<vmem>>) offsets(%dma_start3A_370 : memref<16xi32, #tpu.memory_space<vmem>>) semaphore(%dma_start3A_375 : memref<!tpu.dma_semaphore, #tpu.memory_space<semaphore_mem>>)
      } else {
      }
      %mul3A_240 = arith.constant 4 : i32
      %mul3A_241 = arith.muli %scan3A_122, %mul3A_240 : i32
      %add3A_242 = arith.constant 2 : i32
      %add3A_243 = arith.addi %mul3A_241, %add3A_242 : i32
      %dma_wait3A_244 = arith.constant 2 : i32
      %dma_wait3A_245 = arith.constant 32 : i32
      %dma_wait3A_246 = arith.constant 0 : i32
      %dma_wait3A_247 = tpu.memref_slice %arg6[%dma_wait3A_245, %dma_wait3A_246] : memref<64x768xf32, #tpu.memory_space<vmem>> -> memref<16x768xf32, #tpu.memory_space<vmem>>
      %dma_wait3A_248 = arith.constant 0 : i32
      %dma_wait3A_249 = arith.constant 0 : i32
      %dma_wait3A_250 = tpu.memref_slice %arg3[%dma_wait3A_248, %dma_wait3A_249] : memref<100000x768xf32, #tpu.memory_space<hbm>> -> memref<16x768xf32, #tpu.memory_space<hbm>>
      %dma_wait3A_251 = tpu.memref_slice %arg8[%dma_wait3A_244] : memref<4x!tpu.dma_semaphore, #tpu.memory_space<semaphore_mem>> -> memref<1x!tpu.dma_semaphore, #tpu.memory_space<semaphore_mem>>
      %dma_wait3A_252 = tpu.memref_squeeze %dma_wait3A_251 : memref<1x!tpu.dma_semaphore, #tpu.memory_space<semaphore_mem>> -> memref<!tpu.dma_semaphore, #tpu.memory_space<semaphore_mem>>
      %dma_wait3A_253 = arith.constant 32 : i32
      %dma_wait3A_254 = arith.constant 0 : i32
      %dma_wait3A_255 = tpu.memref_slice %arg6[%dma_wait3A_253, %dma_wait3A_254] : memref<64x768xf32, #tpu.memory_space<vmem>> -> memref<16x768xf32, #tpu.memory_space<vmem>>
      %dma_wait3A_256 = arith.constant 0 : i32
      %dma_wait3A_257 = arith.constant 0 : i32
      %dma_wait3A_258 = tpu.memref_slice %arg3[%dma_wait3A_256, %dma_wait3A_257] : memref<100000x768xf32, #tpu.memory_space<hbm>> -> memref<16x768xf32, #tpu.memory_space<hbm>>
      tpu.wait_dma2 semaphore(%dma_wait3A_252 : memref<!tpu.dma_semaphore, #tpu.memory_space<semaphore_mem>>) src(%dma_wait3A_258 : memref<16x768xf32, #tpu.memory_space<hbm>>) dst(%dma_wait3A_255 : memref<16x768xf32, #tpu.memory_space<vmem>>)
      %sub3A_259 = arith.constant 2 : i32
      %sub3A_260 = arith.subi %add3A_243, %sub3A_259 : i32
      %ge3A_261 = arith.constant 0 : i32
      %ge3A_262 = arith.cmpi sge, %sub3A_260, %ge3A_261 : i32
      %convert_element_type3A_263 = arith.extui %ge3A_262 : i1 to i32
      %cond3A_264 = arith.constant 0 : i32
      %cond3A_265 = arith.cmpi ne, %convert_element_type3A_263, %cond3A_264 : i32
      scf.if %cond3A_265 {
        %dma_wait3A_360 = arith.constant 0 : i32
        %dma_wait3A_361 = arith.constant 0 : i32
        %dma_wait3A_362 = tpu.memref_slice %arg10[%dma_wait3A_361] : memref<2x!tpu.dma_semaphore, #tpu.memory_space<semaphore_mem>> -> memref<1x!tpu.dma_semaphore, #tpu.memory_space<semaphore_mem>>
        %dma_wait3A_363 = tpu.memref_squeeze %dma_wait3A_362 : memref<1x!tpu.dma_semaphore, #tpu.memory_space<semaphore_mem>> -> memref<!tpu.dma_semaphore, #tpu.memory_space<semaphore_mem>>
        %dma_wait3A_364 = arith.constant 0 : i32
        %dma_wait3A_365 = tpu.memref_slice %arg4[%select_n3A, %mul3A_32, %dma_wait3A_364] : memref<4x8192x768xf32, #tpu.memory_space<hbm>> -> memref<1x16x768xf32, #tpu.memory_space<hbm>>
        %dma_wait3A_366 = tpu.memref_squeeze %dma_wait3A_365 : memref<1x16x768xf32, #tpu.memory_space<hbm>> -> memref<16x768xf32, #tpu.memory_space<hbm>>
        %dma_wait3A_367 = arith.constant 0 : i32
        %dma_wait3A_368 = arith.constant 0 : i32
        %dma_wait3A_369 = tpu.memref_slice %arg7[%arg1, %dma_wait3A_360, %dma_wait3A_367, %dma_wait3A_368] : memref<16x2x16x768xf32, #tpu.memory_space<vmem_shared>> -> memref<1x1x16x768xf32, #tpu.memory_space<vmem_shared>>
        %dma_wait3A_370 = tpu.memref_squeeze %dma_wait3A_369 : memref<1x1x16x768xf32, #tpu.memory_space<vmem_shared>> -> memref<16x768xf32, #tpu.memory_space<vmem_shared>>
        tpu.wait_dma2 semaphore(%dma_wait3A_363 : memref<!tpu.dma_semaphore, #tpu.memory_space<semaphore_mem>>) src(%dma_wait3A_370 : memref<16x768xf32, #tpu.memory_space<vmem_shared>>) dst(%dma_wait3A_366 : memref<16x768xf32, #tpu.memory_space<hbm>>)
      } else {
      }
      %dma_start3A_266 = arith.constant 0 : i32
      %dma_start3A_267 = arith.constant 0 : i32
      %dma_start3A_268 = arith.constant 32 : i32
      %dma_start3A_269 = arith.constant 0 : i32
      %dma_start3A_270 = tpu.memref_slice %arg6[%dma_start3A_268, %dma_start3A_269] : memref<64x768xf32, #tpu.memory_space<vmem>> -> memref<16x768xf32, #tpu.memory_space<vmem>>
      %dma_start3A_271 = arith.constant 0 : i32
      %dma_start3A_272 = arith.constant 0 : i32
      %dma_start3A_273 = tpu.memref_slice %arg7[%arg1, %dma_start3A_266, %dma_start3A_271, %dma_start3A_272] : memref<16x2x16x768xf32, #tpu.memory_space<vmem_shared>> -> memref<1x1x16x768xf32, #tpu.memory_space<vmem_shared>>
      %dma_start3A_274 = tpu.memref_squeeze %dma_start3A_273 : memref<1x1x16x768xf32, #tpu.memory_space<vmem_shared>> -> memref<16x768xf32, #tpu.memory_space<vmem_shared>>
      %dma_start3A_275 = tpu.memref_slice %arg9[%dma_start3A_267] : memref<2x!tpu.dma_semaphore, #tpu.memory_space<semaphore_mem>> -> memref<1x!tpu.dma_semaphore, #tpu.memory_space<semaphore_mem>>
      %dma_start3A_276 = tpu.memref_squeeze %dma_start3A_275 : memref<1x!tpu.dma_semaphore, #tpu.memory_space<semaphore_mem>> -> memref<!tpu.dma_semaphore, #tpu.memory_space<semaphore_mem>>
      %dma_start3A_277 = arith.constant 0 : i32
      %dma_start3A_278 = arith.constant 0 : i32
      %dma_start3A_279 = tpu.memref_slice %arg7[%arg1, %dma_start3A_266, %dma_start3A_277, %dma_start3A_278] : memref<16x2x16x768xf32, #tpu.memory_space<vmem_shared>> -> memref<1x1x16x768xf32, #tpu.memory_space<vmem_shared>>
      %dma_start3A_280 = tpu.memref_squeeze %dma_start3A_279 : memref<1x1x16x768xf32, #tpu.memory_space<vmem_shared>> -> memref<16x768xf32, #tpu.memory_space<vmem_shared>>
      %dma_start3A_281 = arith.constant 32 : i32
      %dma_start3A_282 = arith.constant 0 : i32
      %dma_start3A_283 = tpu.memref_slice %arg6[%dma_start3A_281, %dma_start3A_282] : memref<64x768xf32, #tpu.memory_space<vmem>> -> memref<16x768xf32, #tpu.memory_space<vmem>>
      tpu.enqueue_dma source(%dma_start3A_283 : memref<16x768xf32, #tpu.memory_space<vmem>>) target(%dma_start3A_280 : memref<16x768xf32, #tpu.memory_space<vmem_shared>>) target_semaphore(%dma_start3A_276 : memref<!tpu.dma_semaphore, #tpu.memory_space<semaphore_mem>>)
      %sub3A_284 = arith.constant 1 : i32
      %sub3A_285 = arith.subi %add3A_243, %sub3A_284 : i32
      %ge3A_286 = arith.constant 0 : i32
      %ge3A_287 = arith.cmpi sge, %sub3A_285, %ge3A_286 : i32
      %convert_element_type3A_288 = arith.extui %ge3A_287 : i1 to i32
      %cond3A_289 = arith.constant 0 : i32
      %cond3A_290 = arith.cmpi ne, %convert_element_type3A_288, %cond3A_289 : i32
      scf.if %cond3A_290 {
        %dma_wait3A_360 = arith.constant 1 : i32
        %dma_wait3A_361 = arith.constant 1 : i32
        %dma_wait3A_362 = arith.constant 16 : i32
        %dma_wait3A_363 = arith.constant 0 : i32
        %dma_wait3A_364 = tpu.memref_slice %arg6[%dma_wait3A_362, %dma_wait3A_363] : memref<64x768xf32, #tpu.memory_space<vmem>> -> memref<16x768xf32, #tpu.memory_space<vmem>>
        %dma_wait3A_365 = arith.constant 0 : i32
        %dma_wait3A_366 = arith.constant 0 : i32
        %dma_wait3A_367 = tpu.memref_slice %arg7[%arg1, %dma_wait3A_360, %dma_wait3A_365, %dma_wait3A_366] : memref<16x2x16x768xf32, #tpu.memory_space<vmem_shared>> -> memref<1x1x16x768xf32, #tpu.memory_space<vmem_shared>>
        %dma_wait3A_368 = tpu.memref_squeeze %dma_wait3A_367 : memref<1x1x16x768xf32, #tpu.memory_space<vmem_shared>> -> memref<16x768xf32, #tpu.memory_space<vmem_shared>>
        %dma_wait3A_369 = tpu.memref_slice %arg9[%dma_wait3A_361] : memref<2x!tpu.dma_semaphore, #tpu.memory_space<semaphore_mem>> -> memref<1x!tpu.dma_semaphore, #tpu.memory_space<semaphore_mem>>
        %dma_wait3A_370 = tpu.memref_squeeze %dma_wait3A_369 : memref<1x!tpu.dma_semaphore, #tpu.memory_space<semaphore_mem>> -> memref<!tpu.dma_semaphore, #tpu.memory_space<semaphore_mem>>
        %dma_wait3A_371 = arith.constant 0 : i32
        %dma_wait3A_372 = arith.constant 0 : i32
        %dma_wait3A_373 = tpu.memref_slice %arg7[%arg1, %dma_wait3A_360, %dma_wait3A_371, %dma_wait3A_372] : memref<16x2x16x768xf32, #tpu.memory_space<vmem_shared>> -> memref<1x1x16x768xf32, #tpu.memory_space<vmem_shared>>
        %dma_wait3A_374 = tpu.memref_squeeze %dma_wait3A_373 : memref<1x1x16x768xf32, #tpu.memory_space<vmem_shared>> -> memref<16x768xf32, #tpu.memory_space<vmem_shared>>
        %dma_wait3A_375 = arith.constant 16 : i32
        %dma_wait3A_376 = arith.constant 0 : i32
        %dma_wait3A_377 = tpu.memref_slice %arg6[%dma_wait3A_375, %dma_wait3A_376] : memref<64x768xf32, #tpu.memory_space<vmem>> -> memref<16x768xf32, #tpu.memory_space<vmem>>
        tpu.wait_dma2 semaphore(%dma_wait3A_370 : memref<!tpu.dma_semaphore, #tpu.memory_space<semaphore_mem>>) src(%dma_wait3A_377 : memref<16x768xf32, #tpu.memory_space<vmem>>) dst(%dma_wait3A_374 : memref<16x768xf32, #tpu.memory_space<vmem_shared>>)
        %sub3A_378 = arith.constant 1 : i32
        %sub3A_379 = arith.subi %add3A_243, %sub3A_378 : i32
        %mul3A_380 = arith.constant 16 : i32
        %mul3A_381 = arith.muli %sub3A_379, %mul3A_380 : i32
        %add3A_382 = arith.addi %mul3A_32, %mul3A_381 : i32
        %dma_start3A_383 = arith.constant 1 : i32
        %dma_start3A_384 = arith.constant 1 : i32
        %dma_start3A_385 = tpu.memref_slice %arg10[%dma_start3A_384] : memref<2x!tpu.dma_semaphore, #tpu.memory_space<semaphore_mem>> -> memref<1x!tpu.dma_semaphore, #tpu.memory_space<semaphore_mem>>
        %dma_start3A_386 = tpu.memref_squeeze %dma_start3A_385 : memref<1x!tpu.dma_semaphore, #tpu.memory_space<semaphore_mem>> -> memref<!tpu.dma_semaphore, #tpu.memory_space<semaphore_mem>>
        %dma_start3A_387 = arith.constant 0 : i32
        %dma_start3A_388 = tpu.memref_slice %arg4[%select_n3A, %add3A_382, %dma_start3A_387] : memref<4x8192x768xf32, #tpu.memory_space<hbm>> -> memref<1x16x768xf32, #tpu.memory_space<hbm>>
        %dma_start3A_389 = tpu.memref_squeeze %dma_start3A_388 : memref<1x16x768xf32, #tpu.memory_space<hbm>> -> memref<16x768xf32, #tpu.memory_space<hbm>>
        %dma_start3A_390 = arith.constant 0 : i32
        %dma_start3A_391 = arith.constant 0 : i32
        %dma_start3A_392 = tpu.memref_slice %arg7[%arg1, %dma_start3A_383, %dma_start3A_390, %dma_start3A_391] : memref<16x2x16x768xf32, #tpu.memory_space<vmem_shared>> -> memref<1x1x16x768xf32, #tpu.memory_space<vmem_shared>>
        %dma_start3A_393 = tpu.memref_squeeze %dma_start3A_392 : memref<1x1x16x768xf32, #tpu.memory_space<vmem_shared>> -> memref<16x768xf32, #tpu.memory_space<vmem_shared>>
        tpu.enqueue_dma source(%dma_start3A_393 : memref<16x768xf32, #tpu.memory_space<vmem_shared>>) target(%dma_start3A_389 : memref<16x768xf32, #tpu.memory_space<hbm>>) target_semaphore(%dma_start3A_386 : memref<!tpu.dma_semaphore, #tpu.memory_space<semaphore_mem>>)
      } else {
      }
      %add3A_291 = arith.constant 4 : i32
      %add3A_292 = arith.addi %add3A_243, %add3A_291 : i32
      %sub3A_293 = arith.constant 1 : i32
      %sub3A_294 = arith.subi %add3A_292, %sub3A_293 : i32
      %lt3A_295 = arith.constant 64 : i32
      %lt3A_296 = arith.cmpi slt, %sub3A_294, %lt3A_295 : i32
      %convert_element_type3A_297 = arith.extui %lt3A_296 : i1 to i32
      %cond3A_298 = arith.constant 0 : i32
      %cond3A_299 = arith.cmpi ne, %convert_element_type3A_297, %cond3A_298 : i32
      scf.if %cond3A_299 {
        %add3A_360 = arith.constant 4 : i32
        %add3A_361 = arith.addi %add3A_243, %add3A_360 : i32
        %sub3A_362 = arith.constant 1 : i32
        %sub3A_363 = arith.subi %add3A_361, %sub3A_362 : i32
        %mul3A_364 = arith.constant 16 : i32
        %mul3A_365 = arith.muli %sub3A_363, %mul3A_364 : i32
        %dma_start3A_366 = arith.constant 1 : i32
        %dma_start3A_367 = arith.constant 16 : i32
        %dma_start3A_368 = arith.constant 0 : i32
        %dma_start3A_369 = tpu.memref_slice %arg6[%dma_start3A_367, %dma_start3A_368] : memref<64x768xf32, #tpu.memory_space<vmem>> -> memref<16x768xf32, #tpu.memory_space<vmem>>
        %dma_start3A_370 = tpu.memref_slice %arg5[%mul3A_365] : memref<1024xi32, #tpu.memory_space<vmem>> -> memref<16xi32, #tpu.memory_space<vmem>>
        %dma_start3A_371 = arith.constant 0 : i32
        %dma_start3A_372 = arith.constant 0 : i32
        %dma_start3A_373 = tpu.memref_slice %arg3[%dma_start3A_371, %dma_start3A_372] : memref<100000x768xf32, #tpu.memory_space<hbm>> -> memref<100000x768xf32, #tpu.memory_space<hbm>>
        %dma_start3A_374 = tpu.memref_slice %arg8[%dma_start3A_366] : memref<4x!tpu.dma_semaphore, #tpu.memory_space<semaphore_mem>> -> memref<1x!tpu.dma_semaphore, #tpu.memory_space<semaphore_mem>>
        %dma_start3A_375 = tpu.memref_squeeze %dma_start3A_374 : memref<1x!tpu.dma_semaphore, #tpu.memory_space<semaphore_mem>> -> memref<!tpu.dma_semaphore, #tpu.memory_space<semaphore_mem>>
        tpu.enqueue_indirect_dma source(%dma_start3A_373 : memref<100000x768xf32, #tpu.memory_space<hbm>>) target(%dma_start3A_369 : memref<16x768xf32, #tpu.memory_space<vmem>>) offsets(%dma_start3A_370 : memref<16xi32, #tpu.memory_space<vmem>>) semaphore(%dma_start3A_375 : memref<!tpu.dma_semaphore, #tpu.memory_space<semaphore_mem>>)
      } else {
      }
      %mul3A_300 = arith.constant 4 : i32
      %mul3A_301 = arith.muli %scan3A_122, %mul3A_300 : i32
      %add3A_302 = arith.constant 3 : i32
      %add3A_303 = arith.addi %mul3A_301, %add3A_302 : i32
      %dma_wait3A_304 = arith.constant 3 : i32
      %dma_wait3A_305 = arith.constant 48 : i32
      %dma_wait3A_306 = arith.constant 0 : i32
      %dma_wait3A_307 = tpu.memref_slice %arg6[%dma_wait3A_305, %dma_wait3A_306] : memref<64x768xf32, #tpu.memory_space<vmem>> -> memref<16x768xf32, #tpu.memory_space<vmem>>
      %dma_wait3A_308 = arith.constant 0 : i32
      %dma_wait3A_309 = arith.constant 0 : i32
      %dma_wait3A_310 = tpu.memref_slice %arg3[%dma_wait3A_308, %dma_wait3A_309] : memref<100000x768xf32, #tpu.memory_space<hbm>> -> memref<16x768xf32, #tpu.memory_space<hbm>>
      %dma_wait3A_311 = tpu.memref_slice %arg8[%dma_wait3A_304] : memref<4x!tpu.dma_semaphore, #tpu.memory_space<semaphore_mem>> -> memref<1x!tpu.dma_semaphore, #tpu.memory_space<semaphore_mem>>
      %dma_wait3A_312 = tpu.memref_squeeze %dma_wait3A_311 : memref<1x!tpu.dma_semaphore, #tpu.memory_space<semaphore_mem>> -> memref<!tpu.dma_semaphore, #tpu.memory_space<semaphore_mem>>
      %dma_wait3A_313 = arith.constant 48 : i32
      %dma_wait3A_314 = arith.constant 0 : i32
      %dma_wait3A_315 = tpu.memref_slice %arg6[%dma_wait3A_313, %dma_wait3A_314] : memref<64x768xf32, #tpu.memory_space<vmem>> -> memref<16x768xf32, #tpu.memory_space<vmem>>
      %dma_wait3A_316 = arith.constant 0 : i32
      %dma_wait3A_317 = arith.constant 0 : i32
      %dma_wait3A_318 = tpu.memref_slice %arg3[%dma_wait3A_316, %dma_wait3A_317] : memref<100000x768xf32, #tpu.memory_space<hbm>> -> memref<16x768xf32, #tpu.memory_space<hbm>>
      tpu.wait_dma2 semaphore(%dma_wait3A_312 : memref<!tpu.dma_semaphore, #tpu.memory_space<semaphore_mem>>) src(%dma_wait3A_318 : memref<16x768xf32, #tpu.memory_space<hbm>>) dst(%dma_wait3A_315 : memref<16x768xf32, #tpu.memory_space<vmem>>)
      %sub3A_319 = arith.constant 2 : i32
      %sub3A_320 = arith.subi %add3A_303, %sub3A_319 : i32
      %ge3A_321 = arith.constant 0 : i32
      %ge3A_322 = arith.cmpi sge, %sub3A_320, %ge3A_321 : i32
      %convert_element_type3A_323 = arith.extui %ge3A_322 : i1 to i32
      %cond3A_324 = arith.constant 0 : i32
      %cond3A_325 = arith.cmpi ne, %convert_element_type3A_323, %cond3A_324 : i32
      scf.if %cond3A_325 {
        %dma_wait3A_360 = arith.constant 1 : i32
        %dma_wait3A_361 = arith.constant 1 : i32
        %dma_wait3A_362 = tpu.memref_slice %arg10[%dma_wait3A_361] : memref<2x!tpu.dma_semaphore, #tpu.memory_space<semaphore_mem>> -> memref<1x!tpu.dma_semaphore, #tpu.memory_space<semaphore_mem>>
        %dma_wait3A_363 = tpu.memref_squeeze %dma_wait3A_362 : memref<1x!tpu.dma_semaphore, #tpu.memory_space<semaphore_mem>> -> memref<!tpu.dma_semaphore, #tpu.memory_space<semaphore_mem>>
        %dma_wait3A_364 = arith.constant 0 : i32
        %dma_wait3A_365 = tpu.memref_slice %arg4[%select_n3A, %mul3A_32, %dma_wait3A_364] : memref<4x8192x768xf32, #tpu.memory_space<hbm>> -> memref<1x16x768xf32, #tpu.memory_space<hbm>>
        %dma_wait3A_366 = tpu.memref_squeeze %dma_wait3A_365 : memref<1x16x768xf32, #tpu.memory_space<hbm>> -> memref<16x768xf32, #tpu.memory_space<hbm>>
        %dma_wait3A_367 = arith.constant 0 : i32
        %dma_wait3A_368 = arith.constant 0 : i32
        %dma_wait3A_369 = tpu.memref_slice %arg7[%arg1, %dma_wait3A_360, %dma_wait3A_367, %dma_wait3A_368] : memref<16x2x16x768xf32, #tpu.memory_space<vmem_shared>> -> memref<1x1x16x768xf32, #tpu.memory_space<vmem_shared>>
        %dma_wait3A_370 = tpu.memref_squeeze %dma_wait3A_369 : memref<1x1x16x768xf32, #tpu.memory_space<vmem_shared>> -> memref<16x768xf32, #tpu.memory_space<vmem_shared>>
        tpu.wait_dma2 semaphore(%dma_wait3A_363 : memref<!tpu.dma_semaphore, #tpu.memory_space<semaphore_mem>>) src(%dma_wait3A_370 : memref<16x768xf32, #tpu.memory_space<vmem_shared>>) dst(%dma_wait3A_366 : memref<16x768xf32, #tpu.memory_space<hbm>>)
      } else {
      }
      %dma_start3A_326 = arith.constant 1 : i32
      %dma_start3A_327 = arith.constant 1 : i32
      %dma_start3A_328 = arith.constant 48 : i32
      %dma_start3A_329 = arith.constant 0 : i32
      %dma_start3A_330 = tpu.memref_slice %arg6[%dma_start3A_328, %dma_start3A_329] : memref<64x768xf32, #tpu.memory_space<vmem>> -> memref<16x768xf32, #tpu.memory_space<vmem>>
      %dma_start3A_331 = arith.constant 0 : i32
      %dma_start3A_332 = arith.constant 0 : i32
      %dma_start3A_333 = tpu.memref_slice %arg7[%arg1, %dma_start3A_326, %dma_start3A_331, %dma_start3A_332] : memref<16x2x16x768xf32, #tpu.memory_space<vmem_shared>> -> memref<1x1x16x768xf32, #tpu.memory_space<vmem_shared>>
      %dma_start3A_334 = tpu.memref_squeeze %dma_start3A_333 : memref<1x1x16x768xf32, #tpu.memory_space<vmem_shared>> -> memref<16x768xf32, #tpu.memory_space<vmem_shared>>
      %dma_start3A_335 = tpu.memref_slice %arg9[%dma_start3A_327] : memref<2x!tpu.dma_semaphore, #tpu.memory_space<semaphore_mem>> -> memref<1x!tpu.dma_semaphore, #tpu.memory_space<semaphore_mem>>
      %dma_start3A_336 = tpu.memref_squeeze %dma_start3A_335 : memref<1x!tpu.dma_semaphore, #tpu.memory_space<semaphore_mem>> -> memref<!tpu.dma_semaphore, #tpu.memory_space<semaphore_mem>>
      %dma_start3A_337 = arith.constant 0 : i32
      %dma_start3A_338 = arith.constant 0 : i32
      %dma_start3A_339 = tpu.memref_slice %arg7[%arg1, %dma_start3A_326, %dma_start3A_337, %dma_start3A_338] : memref<16x2x16x768xf32, #tpu.memory_space<vmem_shared>> -> memref<1x1x16x768xf32, #tpu.memory_space<vmem_shared>>
      %dma_start3A_340 = tpu.memref_squeeze %dma_start3A_339 : memref<1x1x16x768xf32, #tpu.memory_space<vmem_shared>> -> memref<16x768xf32, #tpu.memory_space<vmem_shared>>
      %dma_start3A_341 = arith.constant 48 : i32
      %dma_start3A_342 = arith.constant 0 : i32
      %dma_start3A_343 = tpu.memref_slice %arg6[%dma_start3A_341, %dma_start3A_342] : memref<64x768xf32, #tpu.memory_space<vmem>> -> memref<16x768xf32, #tpu.memory_space<vmem>>
      tpu.enqueue_dma source(%dma_start3A_343 : memref<16x768xf32, #tpu.memory_space<vmem>>) target(%dma_start3A_340 : memref<16x768xf32, #tpu.memory_space<vmem_shared>>) target_semaphore(%dma_start3A_336 : memref<!tpu.dma_semaphore, #tpu.memory_space<semaphore_mem>>)
      %sub3A_344 = arith.constant 1 : i32
      %sub3A_345 = arith.subi %add3A_303, %sub3A_344 : i32
      %ge3A_346 = arith.constant 0 : i32
      %ge3A_347 = arith.cmpi sge, %sub3A_345, %ge3A_346 : i32
      %convert_element_type3A_348 = arith.extui %ge3A_347 : i1 to i32
      %cond3A_349 = arith.constant 0 : i32
      %cond3A_350 = arith.cmpi ne, %convert_element_type3A_348, %cond3A_349 : i32
      scf.if %cond3A_350 {
        %dma_wait3A_360 = arith.constant 0 : i32
        %dma_wait3A_361 = arith.constant 0 : i32
        %dma_wait3A_362 = arith.constant 32 : i32
        %dma_wait3A_363 = arith.constant 0 : i32
        %dma_wait3A_364 = tpu.memref_slice %arg6[%dma_wait3A_362, %dma_wait3A_363] : memref<64x768xf32, #tpu.memory_space<vmem>> -> memref<16x768xf32, #tpu.memory_space<vmem>>
        %dma_wait3A_365 = arith.constant 0 : i32
        %dma_wait3A_366 = arith.constant 0 : i32
        %dma_wait3A_367 = tpu.memref_slice %arg7[%arg1, %dma_wait3A_360, %dma_wait3A_365, %dma_wait3A_366] : memref<16x2x16x768xf32, #tpu.memory_space<vmem_shared>> -> memref<1x1x16x768xf32, #tpu.memory_space<vmem_shared>>
        %dma_wait3A_368 = tpu.memref_squeeze %dma_wait3A_367 : memref<1x1x16x768xf32, #tpu.memory_space<vmem_shared>> -> memref<16x768xf32, #tpu.memory_space<vmem_shared>>
        %dma_wait3A_369 = tpu.memref_slice %arg9[%dma_wait3A_361] : memref<2x!tpu.dma_semaphore, #tpu.memory_space<semaphore_mem>> -> memref<1x!tpu.dma_semaphore, #tpu.memory_space<semaphore_mem>>
        %dma_wait3A_370 = tpu.memref_squeeze %dma_wait3A_369 : memref<1x!tpu.dma_semaphore, #tpu.memory_space<semaphore_mem>> -> memref<!tpu.dma_semaphore, #tpu.memory_space<semaphore_mem>>
        %dma_wait3A_371 = arith.constant 0 : i32
        %dma_wait3A_372 = arith.constant 0 : i32
        %dma_wait3A_373 = tpu.memref_slice %arg7[%arg1, %dma_wait3A_360, %dma_wait3A_371, %dma_wait3A_372] : memref<16x2x16x768xf32, #tpu.memory_space<vmem_shared>> -> memref<1x1x16x768xf32, #tpu.memory_space<vmem_shared>>
        %dma_wait3A_374 = tpu.memref_squeeze %dma_wait3A_373 : memref<1x1x16x768xf32, #tpu.memory_space<vmem_shared>> -> memref<16x768xf32, #tpu.memory_space<vmem_shared>>
        %dma_wait3A_375 = arith.constant 32 : i32
        %dma_wait3A_376 = arith.constant 0 : i32
        %dma_wait3A_377 = tpu.memref_slice %arg6[%dma_wait3A_375, %dma_wait3A_376] : memref<64x768xf32, #tpu.memory_space<vmem>> -> memref<16x768xf32, #tpu.memory_space<vmem>>
        tpu.wait_dma2 semaphore(%dma_wait3A_370 : memref<!tpu.dma_semaphore, #tpu.memory_space<semaphore_mem>>) src(%dma_wait3A_377 : memref<16x768xf32, #tpu.memory_space<vmem>>) dst(%dma_wait3A_374 : memref<16x768xf32, #tpu.memory_space<vmem_shared>>)
        %sub3A_378 = arith.constant 1 : i32
        %sub3A_379 = arith.subi %add3A_303, %sub3A_378 : i32
        %mul3A_380 = arith.constant 16 : i32
        %mul3A_381 = arith.muli %sub3A_379, %mul3A_380 : i32
        %add3A_382 = arith.addi %mul3A_32, %mul3A_381 : i32
        %dma_start3A_383 = arith.constant 0 : i32
        %dma_start3A_384 = arith.constant 0 : i32
        %dma_start3A_385 = tpu.memref_slice %arg10[%dma_start3A_384] : memref<2x!tpu.dma_semaphore, #tpu.memory_space<semaphore_mem>> -> memref<1x!tpu.dma_semaphore, #tpu.memory_space<semaphore_mem>>
        %dma_start3A_386 = tpu.memref_squeeze %dma_start3A_385 : memref<1x!tpu.dma_semaphore, #tpu.memory_space<semaphore_mem>> -> memref<!tpu.dma_semaphore, #tpu.memory_space<semaphore_mem>>
        %dma_start3A_387 = arith.constant 0 : i32
        %dma_start3A_388 = tpu.memref_slice %arg4[%select_n3A, %add3A_382, %dma_start3A_387] : memref<4x8192x768xf32, #tpu.memory_space<hbm>> -> memref<1x16x768xf32, #tpu.memory_space<hbm>>
        %dma_start3A_389 = tpu.memref_squeeze %dma_start3A_388 : memref<1x16x768xf32, #tpu.memory_space<hbm>> -> memref<16x768xf32, #tpu.memory_space<hbm>>
        %dma_start3A_390 = arith.constant 0 : i32
        %dma_start3A_391 = arith.constant 0 : i32
        %dma_start3A_392 = tpu.memref_slice %arg7[%arg1, %dma_start3A_383, %dma_start3A_390, %dma_start3A_391] : memref<16x2x16x768xf32, #tpu.memory_space<vmem_shared>> -> memref<1x1x16x768xf32, #tpu.memory_space<vmem_shared>>
        %dma_start3A_393 = tpu.memref_squeeze %dma_start3A_392 : memref<1x1x16x768xf32, #tpu.memory_space<vmem_shared>> -> memref<16x768xf32, #tpu.memory_space<vmem_shared>>
        tpu.enqueue_dma source(%dma_start3A_393 : memref<16x768xf32, #tpu.memory_space<vmem_shared>>) target(%dma_start3A_389 : memref<16x768xf32, #tpu.memory_space<hbm>>) target_semaphore(%dma_start3A_386 : memref<!tpu.dma_semaphore, #tpu.memory_space<semaphore_mem>>)
      } else {
      }
      %add3A_351 = arith.constant 4 : i32
      %add3A_352 = arith.addi %add3A_303, %add3A_351 : i32
      %sub3A_353 = arith.constant 1 : i32
      %sub3A_354 = arith.subi %add3A_352, %sub3A_353 : i32
      %lt3A_355 = arith.constant 64 : i32
      %lt3A_356 = arith.cmpi slt, %sub3A_354, %lt3A_355 : i32
      %convert_element_type3A_357 = arith.extui %lt3A_356 : i1 to i32
      %cond3A_358 = arith.constant 0 : i32
      %cond3A_359 = arith.cmpi ne, %convert_element_type3A_357, %cond3A_358 : i32
      scf.if %cond3A_359 {
        %add3A_360 = arith.constant 4 : i32
        %add3A_361 = arith.addi %add3A_303, %add3A_360 : i32
        %sub3A_362 = arith.constant 1 : i32
        %sub3A_363 = arith.subi %add3A_361, %sub3A_362 : i32
        %mul3A_364 = arith.constant 16 : i32
        %mul3A_365 = arith.muli %sub3A_363, %mul3A_364 : i32
        %dma_start3A_366 = arith.constant 2 : i32
        %dma_start3A_367 = arith.constant 32 : i32
        %dma_start3A_368 = arith.constant 0 : i32
        %dma_start3A_369 = tpu.memref_slice %arg6[%dma_start3A_367, %dma_start3A_368] : memref<64x768xf32, #tpu.memory_space<vmem>> -> memref<16x768xf32, #tpu.memory_space<vmem>>
        %dma_start3A_370 = tpu.memref_slice %arg5[%mul3A_365] : memref<1024xi32, #tpu.memory_space<vmem>> -> memref<16xi32, #tpu.memory_space<vmem>>
        %dma_start3A_371 = arith.constant 0 : i32
        %dma_start3A_372 = arith.constant 0 : i32
        %dma_start3A_373 = tpu.memref_slice %arg3[%dma_start3A_371, %dma_start3A_372] : memref<100000x768xf32, #tpu.memory_space<hbm>> -> memref<100000x768xf32, #tpu.memory_space<hbm>>
        %dma_start3A_374 = tpu.memref_slice %arg8[%dma_start3A_366] : memref<4x!tpu.dma_semaphore, #tpu.memory_space<semaphore_mem>> -> memref<1x!tpu.dma_semaphore, #tpu.memory_space<semaphore_mem>>
        %dma_start3A_375 = tpu.memref_squeeze %dma_start3A_374 : memref<1x!tpu.dma_semaphore, #tpu.memory_space<semaphore_mem>> -> memref<!tpu.dma_semaphore, #tpu.memory_space<semaphore_mem>>
        tpu.enqueue_indirect_dma source(%dma_start3A_373 : memref<100000x768xf32, #tpu.memory_space<hbm>>) target(%dma_start3A_369 : memref<16x768xf32, #tpu.memory_space<vmem>>) offsets(%dma_start3A_370 : memref<16xi32, #tpu.memory_space<vmem>>) semaphore(%dma_start3A_375 : memref<!tpu.dma_semaphore, #tpu.memory_space<semaphore_mem>>)
      } else {
      }
    }
    %scan3A_69 = arith.constant 16 : i32
    %dma_wait3A = arith.constant 1 : i32
    %dma_wait3A_70 = arith.constant 1 : i32
    %dma_wait3A_71 = arith.constant 48 : i32
    %dma_wait3A_72 = arith.constant 0 : i32
    %dma_wait3A_73 = tpu.memref_slice %arg6[%dma_wait3A_71, %dma_wait3A_72] : memref<64x768xf32, #tpu.memory_space<vmem>> -> memref<16x768xf32, #tpu.memory_space<vmem>>
    %dma_wait3A_74 = arith.constant 0 : i32
    %dma_wait3A_75 = arith.constant 0 : i32
    %dma_wait3A_76 = tpu.memref_slice %arg7[%arg1, %dma_wait3A, %dma_wait3A_74, %dma_wait3A_75] : memref<16x2x16x768xf32, #tpu.memory_space<vmem_shared>> -> memref<1x1x16x768xf32, #tpu.memory_space<vmem_shared>>
    %dma_wait3A_77 = tpu.memref_squeeze %dma_wait3A_76 : memref<1x1x16x768xf32, #tpu.memory_space<vmem_shared>> -> memref<16x768xf32, #tpu.memory_space<vmem_shared>>
    %dma_wait3A_78 = tpu.memref_slice %arg9[%dma_wait3A_70] : memref<2x!tpu.dma_semaphore, #tpu.memory_space<semaphore_mem>> -> memref<1x!tpu.dma_semaphore, #tpu.memory_space<semaphore_mem>>
    %dma_wait3A_79 = tpu.memref_squeeze %dma_wait3A_78 : memref<1x!tpu.dma_semaphore, #tpu.memory_space<semaphore_mem>> -> memref<!tpu.dma_semaphore, #tpu.memory_space<semaphore_mem>>
    %dma_wait3A_80 = arith.constant 0 : i32
    %dma_wait3A_81 = arith.constant 0 : i32
    %dma_wait3A_82 = tpu.memref_slice %arg7[%arg1, %dma_wait3A, %dma_wait3A_80, %dma_wait3A_81] : memref<16x2x16x768xf32, #tpu.memory_space<vmem_shared>> -> memref<1x1x16x768xf32, #tpu.memory_space<vmem_shared>>
    %dma_wait3A_83 = tpu.memref_squeeze %dma_wait3A_82 : memref<1x1x16x768xf32, #tpu.memory_space<vmem_shared>> -> memref<16x768xf32, #tpu.memory_space<vmem_shared>>
    %dma_wait3A_84 = arith.constant 48 : i32
    %dma_wait3A_85 = arith.constant 0 : i32
    %dma_wait3A_86 = tpu.memref_slice %arg6[%dma_wait3A_84, %dma_wait3A_85] : memref<64x768xf32, #tpu.memory_space<vmem>> -> memref<16x768xf32, #tpu.memory_space<vmem>>
    tpu.wait_dma2 semaphore(%dma_wait3A_79 : memref<!tpu.dma_semaphore, #tpu.memory_space<semaphore_mem>>) src(%dma_wait3A_86 : memref<16x768xf32, #tpu.memory_space<vmem>>) dst(%dma_wait3A_83 : memref<16x768xf32, #tpu.memory_space<vmem_shared>>)
    %add3A_87 = arith.constant 1008 : i32
    %add3A_88 = arith.addi %mul3A_32, %add3A_87 : i32
    %dma_start3A_89 = arith.constant 1 : i32
    %dma_start3A_90 = arith.constant 1 : i32
    %dma_start3A_91 = tpu.memref_slice %arg10[%dma_start3A_90] : memref<2x!tpu.dma_semaphore, #tpu.memory_space<semaphore_mem>> -> memref<1x!tpu.dma_semaphore, #tpu.memory_space<semaphore_mem>>
    %dma_start3A_92 = tpu.memref_squeeze %dma_start3A_91 : memref<1x!tpu.dma_semaphore, #tpu.memory_space<semaphore_mem>> -> memref<!tpu.dma_semaphore, #tpu.memory_space<semaphore_mem>>
    %dma_start3A_93 = arith.constant 0 : i32
    %dma_start3A_94 = tpu.memref_slice %arg4[%select_n3A, %add3A_88, %dma_start3A_93] : memref<4x8192x768xf32, #tpu.memory_space<hbm>> -> memref<1x16x768xf32, #tpu.memory_space<hbm>>
    %dma_start3A_95 = tpu.memref_squeeze %dma_start3A_94 : memref<1x16x768xf32, #tpu.memory_space<hbm>> -> memref<16x768xf32, #tpu.memory_space<hbm>>
    %dma_start3A_96 = arith.constant 0 : i32
    %dma_start3A_97 = arith.constant 0 : i32
    %dma_start3A_98 = tpu.memref_slice %arg7[%arg1, %dma_start3A_89, %dma_start3A_96, %dma_start3A_97] : memref<16x2x16x768xf32, #tpu.memory_space<vmem_shared>> -> memref<1x1x16x768xf32, #tpu.memory_space<vmem_shared>>
    %dma_start3A_99 = tpu.memref_squeeze %dma_start3A_98 : memref<1x1x16x768xf32, #tpu.memory_space<vmem_shared>> -> memref<16x768xf32, #tpu.memory_space<vmem_shared>>
    tpu.enqueue_dma source(%dma_start3A_99 : memref<16x768xf32, #tpu.memory_space<vmem_shared>>) target(%dma_start3A_95 : memref<16x768xf32, #tpu.memory_space<hbm>>) target_semaphore(%dma_start3A_92 : memref<!tpu.dma_semaphore, #tpu.memory_space<semaphore_mem>>)
    %dma_wait3A_100 = arith.constant 0 : i32
    %dma_wait3A_101 = arith.constant 0 : i32
    %dma_wait3A_102 = tpu.memref_slice %arg10[%dma_wait3A_101] : memref<2x!tpu.dma_semaphore, #tpu.memory_space<semaphore_mem>> -> memref<1x!tpu.dma_semaphore, #tpu.memory_space<semaphore_mem>>
    %dma_wait3A_103 = tpu.memref_squeeze %dma_wait3A_102 : memref<1x!tpu.dma_semaphore, #tpu.memory_space<semaphore_mem>> -> memref<!tpu.dma_semaphore, #tpu.memory_space<semaphore_mem>>
    %dma_wait3A_104 = arith.constant 0 : i32
    %dma_wait3A_105 = tpu.memref_slice %arg4[%select_n3A, %mul3A_32, %dma_wait3A_104] : memref<4x8192x768xf32, #tpu.memory_space<hbm>> -> memref<1x16x768xf32, #tpu.memory_space<hbm>>
    %dma_wait3A_106 = tpu.memref_squeeze %dma_wait3A_105 : memref<1x16x768xf32, #tpu.memory_space<hbm>> -> memref<16x768xf32, #tpu.memory_space<hbm>>
    %dma_wait3A_107 = arith.constant 0 : i32
    %dma_wait3A_108 = arith.constant 0 : i32
    %dma_wait3A_109 = tpu.memref_slice %arg7[%arg1, %dma_wait3A_100, %dma_wait3A_107, %dma_wait3A_108] : memref<16x2x16x768xf32, #tpu.memory_space<vmem_shared>> -> memref<1x1x16x768xf32, #tpu.memory_space<vmem_shared>>
    %dma_wait3A_110 = tpu.memref_squeeze %dma_wait3A_109 : memref<1x1x16x768xf32, #tpu.memory_space<vmem_shared>> -> memref<16x768xf32, #tpu.memory_space<vmem_shared>>
    tpu.wait_dma2 semaphore(%dma_wait3A_103 : memref<!tpu.dma_semaphore, #tpu.memory_space<semaphore_mem>>) src(%dma_wait3A_110 : memref<16x768xf32, #tpu.memory_space<vmem_shared>>) dst(%dma_wait3A_106 : memref<16x768xf32, #tpu.memory_space<hbm>>)
    %dma_wait3A_111 = arith.constant 1 : i32
    %dma_wait3A_112 = arith.constant 1 : i32
    %dma_wait3A_113 = tpu.memref_slice %arg10[%dma_wait3A_112] : memref<2x!tpu.dma_semaphore, #tpu.memory_space<semaphore_mem>> -> memref<1x!tpu.dma_semaphore, #tpu.memory_space<semaphore_mem>>
    %dma_wait3A_114 = tpu.memref_squeeze %dma_wait3A_113 : memref<1x!tpu.dma_semaphore, #tpu.memory_space<semaphore_mem>> -> memref<!tpu.dma_semaphore, #tpu.memory_space<semaphore_mem>>
    %dma_wait3A_115 = arith.constant 0 : i32
    %dma_wait3A_116 = tpu.memref_slice %arg4[%select_n3A, %mul3A_32, %dma_wait3A_115] : memref<4x8192x768xf32, #tpu.memory_space<hbm>> -> memref<1x16x768xf32, #tpu.memory_space<hbm>>
    %dma_wait3A_117 = tpu.memref_squeeze %dma_wait3A_116 : memref<1x16x768xf32, #tpu.memory_space<hbm>> -> memref<16x768xf32, #tpu.memory_space<hbm>>
    %dma_wait3A_118 = arith.constant 0 : i32
    %dma_wait3A_119 = arith.constant 0 : i32
    %dma_wait3A_120 = tpu.memref_slice %arg7[%arg1, %dma_wait3A_111, %dma_wait3A_118, %dma_wait3A_119] : memref<16x2x16x768xf32, #tpu.memory_space<vmem_shared>> -> memref<1x1x16x768xf32, #tpu.memory_space<vmem_shared>>
    %dma_wait3A_121 = tpu.memref_squeeze %dma_wait3A_120 : memref<1x1x16x768xf32, #tpu.memory_space<vmem_shared>> -> memref<16x768xf32, #tpu.memory_space<vmem_shared>>
    tpu.wait_dma2 semaphore(%dma_wait3A_114 : memref<!tpu.dma_semaphore, #tpu.memory_space<semaphore_mem>>) src(%dma_wait3A_121 : memref<16x768xf32, #tpu.memory_space<vmem_shared>>) dst(%dma_wait3A_117 : memref<16x768xf32, #tpu.memory_space<hbm>>)
    return
  }
}

</mosaic_0001>

<sc_bundles>
// kernel: kernel.3.cloned.1.call-start
scs
__scs_entry_jumppad:
0x0: {  	(pc) =	sbr.rel $0x88, $3  }
0x1: {  	(tag) =	ssettag $0x0;
	lr =	simm.s32 $0x1  }
0x2: {  	[smem:$0x3F9F] =	sst lr;
	_ =	strace $0xD0000000  }
0x3: {  	_ = 	snop  }
0x4: {  	_ = 	snop  }
0x5: {  	_ = 	snop  }
0x6: {  	_ = 	snop  }
0x7: {  	_ = 	snop  }
__scs_overlays_trampoline_lowered:
0x8: {  	[smem:$0x3FAE] =	sst s0  }
0x9: {  	[smem:$0x3FAF] =	sst s1  }
0xa: {  	[smem:$0x3FB0] =	sst s2  }
0xb: {  	[smem:$0x3FB1] =	sst s3  }
0xc: {  	[smem:$0x3FB2] =	sst s4  }
0xd: {  	[smem:$0x3FB3] =	sst s5  }
0xe: {  	[smem:$0x3FB4] =	sst s6  }
0xf: {  	[smem:$0x3FB5] =	sst s7  }
0x10: {  	[smem:$0x3FB6] =	sst s8  }
0x11: {  	[smem:$0x3FB7] =	sst s9;
	s0 =	simm.s32 @!p0 $0x0  }
0x12: {  	s1 =	sld [smem:$0x3F9D];
	s0 =	simm.s32 @p0 $0x1  }
0x13: {  	[smem:$0x3FB8] =	sst s0;
	s0 =	simm.s32 @!p1 $0x0  }
0x14: {  	s2 =	sld [smem:$0x3F9C];
	s0 =	simm.s32 @p1 $0x1  }
0x15: {  	[smem:$0x3FB9] =	sst s0;
	s0 =	simm.s32 @!p2 $0x0  }
0x16: {  	s3 =	sld [smem:$0x3FDB];
	s0 =	simm.s32 @p2 $0x1  }
0x17: {  	s4 =	simm.s32 $0x1BF5;
	[smem:$0x3FBB] =	sst s0  }
0x18: {  	s0 =	sld [smem:$0x3F9E];
	_ =	swait.ge [sflag:s4], $0x0  }
0x19: {  	s7 =	sld [smem:$0x3F9F]  }
0x1a: {  	s8 =	sadd.s32 $0xFFFFE003, lr  }
0x1b: {  	s9 =	sadd.s32 $0xFFFFFEF7, lr;
	s5 =	simm.s32 $0xFFFFFFFF;
	p2 =	slt.u32 s8, $0xFFFFF086  }
0x1c: {  	p1 =	slt.u32 s9, $0xF7A;
	s5 =	simm.s32 @!p2 $0x0  }
0x1d: {  	s5 =	simm.s32 @p1 $0x1;
	p0 =	seq.s32 s7, s2  }
0x1e: {  	s7 =	smul.u32 @!p0 $0xF7A, s2;
	p2 =	seq.s32 @!p0 s5, $0x0  }
0x1f: {  	s9 =	smul.u32 $0xF7A, s1;
	s8 =	simm.s32 @!p0 $0x1BF5;
	p2 =	por !p2, p0  }
0x20: {  	[sflag:s8] =	ssyncset.s32 @!p0 $0xFFFFF086;
	s6 =	sadd.s32 @!p0 s3, s7;
	s7 =	simm.s32 @!p0 $0x108  }
0x21: {  	s3 =	sadd.s32 s3, s9;
	s6 =	sadd.s32 @!p0 $0x88, s6;
	s7 =	simm.s32 @p2 $0x1082  }
0x22: {  	[simem:s7], [sflag:s8] =	dma.local @!p0 [hbm:s6], $0xF7A  }
0x23: {  	s9 =	sor.u32 $0xD0000000, s2;
	s6 =	simm.s32 $0x108;
	_ =	swait.ge @!p0 [sflag:s8], $0x0  }
0x24: {  	s3 =	sadd.s32 $0x88, s3;
	s6 =	simm.s32 @!p1 $0x1082;
	[sflag:s4] =	ssyncset.s32 $0xFFFFF086  }
0x25: {  	[simem:s6], [sflag:s4] =	dma.local [hbm:s3], $0xF7A  }
0x26: {  	[smem:$0x3F9F] =	sst s1;
	(tag) =	ssettag s2;
	_ =	strace s9  }
0x27: {  	s1 =	sld [smem:$0x3FAF]  }
0x28: {  	s2 =	sld [smem:$0x3FB0]  }
0x29: {  	s4 =	sld [smem:$0x3FB2]  }
0x2a: {  	p0 =	seq.s32 s5, $0x0;
	s5 =	sld [smem:$0x3FB3]  }
0x2b: {  	s6 =	sld [smem:$0x3FB4]  }
0x2c: {  	s7 =	sld [smem:$0x3FB5]  }
0x2d: {  	s3 =	simm.s32 $0x108;
	s8 =	sld [smem:$0x3FB6]  }
0x2e: {  	s3 =	simm.s32 @!p0 $0x1082;
	s9 =	sld [smem:$0x3FB7]  }
0x2f: {  	lr =	sadd.s32 s0, s3;
	s0 =	sld [smem:$0x3FAE]  }
0x30: {  	s3 =	sld [smem:$0x3FB1]  }
0x31: {  	[smem:$0x3FBA] =	sst s10  }
0x32: {  	s10 =	sld [smem:$0x3FB8];
	_ =	sdelay $0x3  }
0x33: {  	p0 =	seq.s32 s10, $0x1;
	s10 =	sld [smem:$0x3FBA];
	_ =	sdelay $0x3  }
0x34: {  	[smem:$0x3FBA] =	sst s10  }
0x35: {  	s10 =	sld [smem:$0x3FB9];
	_ =	sdelay $0x3  }
0x36: {  	p1 =	seq.s32 s10, $0x1;
	s10 =	sld [smem:$0x3FBA];
	_ =	sdelay $0x3  }
0x37: {  	[smem:$0x3FBA] =	sst s10  }
0x38: {  	s10 =	sld [smem:$0x3FBB]  }
0x39: {  	_ = 	snop;
	(pc) =	sbr.ind lr, $3  }
0x3a: {  	_ = 	snop  }
0x3b: {  	_ = 	snop  }
0x3c: {  	p2 =	seq.s32 s10, $0x1;
	s10 =	sld [smem:$0x3FBA]  }
0x3d: {  	_ =	shalt  }
0x3e: {  	_ =	shalt  }
0x3f: {  	_ =	shalt  }
0x40: {  	_ =	shalt  }
0x41: {  	_ =	shalt  }
0x42: {  	_ =	shalt  }
0x43: {  	_ =	shalt  }
0x44: {  	_ =	shalt  }
0x45: {  	_ =	shalt  }
0x46: {  	_ =	shalt  }
0x47: {  	_ =	shalt  }
0x48: {  	_ =	shalt  }
0x49: {  	_ =	shalt  }
0x4a: {  	_ =	shalt  }
0x4b: {  	_ =	shalt  }
0x4c: {  	_ =	shalt  }
0x4d: {  	_ =	shalt  }
0x4e: {  	_ =	shalt  }
0x4f: {  	_ =	shalt  }
0x50: {  	_ =	shalt  }
0x51: {  	_ =	shalt  }
0x52: {  	_ =	shalt  }
0x53: {  	_ =	shalt  }
0x54: {  	_ =	shalt  }
0x55: {  	_ =	shalt  }
0x56: {  	_ =	shalt  }
0x57: {  	_ =	shalt  }
0x58: {  	_ =	shalt  }
0x59: {  	_ =	shalt  }
0x5a: {  	_ =	shalt  }
0x5b: {  	_ =	shalt  }
0x5c: {  	_ =	shalt  }
0x5d: {  	_ =	shalt  }
0x5e: {  	_ =	shalt  }
0x5f: {  	_ =	shalt  }
0x60: {  	_ =	shalt  }
0x61: {  	_ =	shalt  }
0x62: {  	_ =	shalt  }
0x63: {  	_ =	shalt  }
0x64: {  	_ =	shalt  }
0x65: {  	_ =	shalt  }
0x66: {  	_ =	shalt  }
0x67: {  	_ =	shalt  }
0x68: {  	_ =	shalt  }
0x69: {  	_ =	shalt  }
0x6a: {  	_ =	shalt  }
0x6b: {  	_ =	shalt  }
0x6c: {  	_ =	shalt  }
0x6d: {  	_ =	shalt  }
0x6e: {  	_ =	shalt  }
0x6f: {  	_ =	shalt  }
0x70: {  	_ =	shalt  }
0x71: {  	_ =	shalt  }
0x72: {  	_ =	shalt  }
0x73: {  	_ =	shalt  }
0x74: {  	_ =	shalt  }
0x75: {  	_ =	shalt  }
0x76: {  	_ =	shalt  }
0x77: {  	_ =	shalt  }
0x78: {  	_ =	shalt  }
0x79: {  	_ =	shalt  }
0x7a: {  	_ =	shalt  }
0x7b: {  	_ =	shalt  }
0x7c: {  	_ =	shalt  }
0x7d: {  	_ =	shalt  }
0x7e: {  	_ =	shalt  }
0x7f: {  	_ =	shalt  }
0x80: {  	_ =	shalt  }
0x81: {  	_ =	shalt  }
0x82: {  	_ =	shalt  }
0x83: {  	_ =	shalt  }
0x84: {  	_ =	shalt  }
0x85: {  	_ =	shalt  }
0x86: {  	_ =	shalt  }
0x87: {  	_ =	shalt  }
.Lfunc_end0:
.L_simem_size_0:
called_computation_lowered:
.L_overlay_start_0:
0x88: {  	s2 =	sld [smem:$0x3FD9]  }
0x89: {  	s3 =	sld [smem:$0x3FFE];
	_ =	sdelay $0x1  }
0x8a: {  	s1 =	srdreg.scid  }
0x8b: {  	s0 =	sand.u32 $0x1, s1  }
0x8c: {  	s18 =	sshll.u32 s0, $0xA;
	s2 =	sadd.s32 s3, s2  }
0x8d: {  	s2 =	sadd.s32 s2, s18  }
0x8e: {  	[smem:$0x3FC6] =	sst s2  }
0x8f: {  	_ = 	snop  }
0x90: {  	s2 =	sld [smem:$0x3FC9]  }
0x91: {  	s19 =	sld [smem:$0x3FC8]  }
0x92: {  	s4 =	sld [smem:$0x3FD0];
	(tm) =	ssettm $0x1  }
0x93: {  	s5 =	sld [smem:$0x3FFB];
	_ =	sdelay $0x3  }
0x94: {  	_ =	strace s5  }
0x95: {  	s5 =	sld [smem:$0x3FFC];
	_ =	sdelay $0x3  }
0x96: {  	_ =	strace s5  }
0x97: {  	s5 =	sld [smem:$0x3FFD];
	_ =	sdelay $0x3  }
0x98: {  	_ =	strace s5  }
0x99: {  	_ =	strace $0x8FFFFFFF  }
0x9a: {  	s20 =	sld [smem:$0x3FDB];
	_ =	sdelay $0x1  }
0x9b: {  	s6 =	simm.s32 $_scs_section_size  }
0x9c: {  	s7 =	simm.s32 $_size__tile_overlayer_lowered;
	s8 =	simm.s32 $_tile_overlayer_lowered  }
0x9d: {  	s23 =	simm.s32 $0x1BFF;
	s22 =	sshll.u32 s8, $0x1;
	s5 =	sadd.s32 s6, s20  }
0x9e: {  	s9 =	simm.s32 $0x0;
	s21 =	sshll.u32 s7, $0x1;
	s7 =	sadd.s32 s22, s5  }
0x9f: {  	[timem:s9], [sflag:s23] =	dma.local [hbm:s7], s21  }
0xa0: {  	_ =	swait.ge [sflag:s23], s21  }
0xa1: {  	s6 =	ssub.s32 $0x0, s21;
	[sflag:s23] =	ssyncset.done $0x0  }
0xa2: {  	[sflag:s23] =	ssyncadd.s32 s6;
	_ =	sdelay $0x1  }
0xa3: {  	s24 =	simm.s32 $0x1B8B  }
0xa4: {  	_ =	swait.ge [sflag:s24], $0x1  }
0xa5: {  	[sflag:s24] =	ssyncset.done $0x0  }
0xa6: {  	s25 =	simm.s32 $0x1B8E;
	[sflag:s24] =	ssyncadd.s32 $0xFFFFFFFF  }
0xa7: {  	s26 =	simm.s32 $execute0_lowered;
	[smem:$0x3FD2] =	sst s25  }
0xa8: {  	s6 =	sshll.u32 s26, $0x1;
	_ =	strace $0x80000046;
	[dreg:$0x1] =	wrdreg $0xFFFFFFFF  }
0xa9: {  	s28 =	simm.s32 $_size_execute0_lowered;
	s5 =	sadd.s32 s5, s6;
	[dreg:$0x0] =	wrdreg $0x0  }
0xaa: {  	s6 =	sshll.u32 s28, $0x1;
	[dreg:$0x2] =	wrdreg s5  }
0xab: {  	[dreg:$0x3] =	wrdreg s6  }
0xac: {  	[dreg:$0x4] =	wrdreg $0xC0  }
0xad: {  	_ =	task [dreg:s9], $0x5FFFF  }
0xae: {  	[dreg:$0x1] =	wrdreg $0xFFFFFFFF  }
0xaf: {  	[dreg:$0x0] =	wrdreg $0x60  }
0xb0: {  	[dreg:$0x2] =	wrdreg s2  }
0xb1: {  	[dreg:$0x3] =	wrdreg s19  }
0xb2: {  	[dreg:$0x4] =	wrdreg s4  }
0xb3: {  	[dreg:$0x5] =	wrdreg $0xC4000  }
0xb4: {  	[dreg:$0x6] =	wrdreg $0x9  }
0xb5: {  	_ =	task.clear_ibuf [dreg:s9], $0x7FFFF;
	_ =	strace $0x90000046  }
0xb6: {  	s29 =	simm.s32 $0x9;
	_ =	strace $0x80000048  }
0xb7: {  	_ =	swait.ge [sflag:s29], $0x1  }
0xb8: {  	[sflag:s29] =	ssyncadd.s32 $0xFFFFFFFF  }
0xb9: {  	_ =	strace $0x90000048  }
0xba: {  	_ =	sfence  }
0xbb: {  	s30 =	sld [smem:$0x0];
	_ =	sdelay $0x2  }
0xbc: {  	s31 =	sshll.u32 s1, $0xD;
	s1 =	sshrl.u32 s1, $0x2  }
0xbd: {  	s3 =	sand.u32 $0x4000, s31;
	s1 =	sadd.s32 s1, s30  }
0xbe: {  	s0 =	sor.u32 s3, s0;
	s1 =	sshll.u32 s1, $0x11  }
0xbf: {  	s0 =	sor.u32 s1, s0  }
0xc0: {  	s0 =	sadd.s32 $0x8F2B, s0  }
0xc1: {  	[sflag:s0] =	ssyncadd.remote.s32 $0x1  }
0xc2: {  	_ =	sfence.sel $0xFFFF  }
0xc3: {  	[dreg:$0x0] =	wrdreg $0xFFFFFFFF;
	(pc) =	sbr.abs _section_cstart, $3  }
0xc4: {  	[dreg:$0x1] =	wrdreg $0xFFFFFFFF  }
0xc5: {  	_ =	task.clear_ibuf [dreg:s9], $0x2FFFF;
	_ =	strace $0x9FFFFFFF  }
0xc6: {  	(tm) =	ssettm $0x7FFFFFFF  }
0xc7: {  	_ =	shalt  }
tec
execute0_lowered:
.L_overlay_start_1:
0x0: {  	(tag) =	ssettag $0x1  }
0x1: {  	s0 =	rddreg [dreg:$0x0]  }
0x2: {  	s1 =	rddreg [dreg:$0x1]  }
0x3: {  	s13 =	rddreg [dreg:$0x2]  }
0x4: {  	s2 =	rddreg [dreg:$0x3]  }
0x5: {  	s5 =	srdreg.scid;
	s4 =	simm.s32 $0x0;
	s3 =	stileid.u32  }
0x6: {  	s17 =	simm.s32 $0x6400;
	s18 =	simm.s32 $0x8;
	s6 =	sand.u32 $0x1, s5  }
0x7: {  	[smem:$0x7FF] =	sst s4;
	s7 =	sshll.u32 s3, $0x1;
	s19 =	sshrl.u32 s3, $0x2  }
0x8: {  	s10 =	smul.u32 $0x18000, s3;
	s21 =	sand.u32 $0x3, s3;
	s5 =	ssub.s32 $0x2, s6  }
0x9: {  	_ =	strace $0x80000047;
	s7 =	sand.u32 $0x6, s7;
	s9 =	sshll.u32 s19, $0x4  }
0xa: {  	s8 =	sshrl.u32 s5, $0x1;
	s7 =	sor.u32 s6, s7;
	s0 =	sadd.s32 s0, s9  }
0xb: {  	s9 =	sshll.u32 s21, $0xB;
	s6 =	sshll.u32 s6, $0xA;
	s23 =	sshrl.u32 s10, $0x2  }
0xc: {  	s21 =	simm.s32 $0x0;
	s11 =	ssub.s32 s5, s8;
	s5 =	smul.u32 $0x600000, s19  }
0xd: {  	s20 =	sshll.u32 s7, $0x9;
	s12 =	smul.u32 $0xC0000, s7;
	s7 =	sadd.s32 $0x100, s1  }
0xe: {  	s22 =	sor.u32 s6, s9;
	s8 =	sadd.s32 s23, s2;
	s9 =	sadd.s32 $0x200, s1  }
0xf: {  	s19 =	simm.s32 $0x6;
	s0 =	sadd.s32 s20, s0;
	s25 =	sshrl.u32 s22, $0x3  }
0x10: {  	s10 =	sadd.s32 $0x3000, s8;
	s29 =	smax.u32 s11, $0x1;
	s11 =	simm.s32 $0x5  }
0x11: {  	[dreg:$0x5] =	wrdreg s0;
	s24 =	sadd.s32 s5, s12;
	s28 =	smul.u32 $0x1800, s25  }
0x12: {  	[dreg:$0x7] =	wrdreg s29;
	s0 =	sadd.s32 $0xFFFFFFF0, s22;
	s25 =	simm.s32 $0x9400  }
0x13: {  	s12 =	simm.s32 $0x3;
	s26 =	sadd.s32 $0xBD000, s24;
	[dreg:$0x8] =	wrdreg s0  }
0x14: {  	s24 =	simm.s32 $0x1;
	s2 =	sshrl.u32 s26, $0x3;
	s30 =	sadd.s32 s28, s5  }
.Ltmp0:
0x15: {  	s2 =	sadd.s32 s13, s2;
	s31 =	sor.u32 $0x6000, s30;
	(pc) =	sbr.rel .LBB2_1-.Ltmp0, $4  }
0x16: {  	s6 =	sor.u32 $0x3000, s30;
	[dreg:$0x6] =	wrdreg s2;
	s0 =	sshrl.u32 s31, $0x3  }
0x17: {  	v2 =	vlaneseq.u32;
	s6 =	sshrl.u32 s6, $0x3;
	s2 =	sshrl.u32 s30, $0x3;
	s14 =	sadd.s32 s0, s13  }
0x18: {  	vm0 =	vmmov $0xffff;
	v1 =	vshrl.u32 v2, $0x3;
	s15 =	sadd.s32 s6, s13;
	s16 =	sadd.s32 s2, s13;
	s0 =	simm.s32 $0xBC00  }
0x19: {  	v0 =	vand.u32 $0x7, v2;
	v2 =	vor.u32 $0x8, v2;
	v1 =	vmul.u32 $0x8, v1;
	s6 =	simm.s32 $0x2;
	s13 =	simm.s32 $0x7;
	s2 =	simm.s32 $0x4  }
.LBB2_4:
0x1a: {  	_ =	swait.ge [sflag:s19], $0x3000  }
0x1b: {  	[sflag:s19] =	ssyncset.done $0x0  }
0x1c: {  	s20 =	rddreg [dreg:$0x6];
	[sflag:s19] =	ssyncadd.s32 $0xFFFFD000  }
0x1d: {  	[hbm:s20], [sflag:s28] =	dma.local [spmem:s29], $0x600  }
0x1e: {  	_ =	swait.ge [sflag:s13], $0x600  }
0x1f: {  	[sflag:s13] =	ssyncset.done $0x0  }
0x20: {  	[sflag:s13] =	ssyncadd.s32 $0xFFFFFA00  }
0x21: {  	_ =	swait.ge [sflag:s18], $0x600  }
0x22: {  	s21 =	rddreg [dreg:$0x9]  }
0x23: {  	s31 =	rddreg [dreg:$0x7];
	s21 =	sadd.s32 $0x1, s21  }
0x24: {  	p0 =	sne.s32 s21, s31  }
.Ltmp1:
0x25: {  	_ = 	snop;
	(pc) =	sbr.rel @!p0 .LBB2_5-.Ltmp1, $3  }
0x26: {  	_ =	sdelay $0x1  }
0x27: {  	[sflag:s18] =	ssyncset.done $0x0  }
0x28: {  	[sflag:s18] =	ssyncadd.s32 $0xFFFFFA00  }
.LBB2_1:
0x29: {  	[dreg:$0x9] =	wrdreg s21  }
0x2a: {  	s20 =	rddreg [dreg:$0x5]  }
0x2b: {  	s29 =	simm.s32 $0x80;
	s22 =	simm.s32 $0x200;
	s30 =	simm.s32 $0x9  }
0x2c: {  	[tilespmem:s4], [sflag:$0x9] =	stream.strided.gather [hbm4b:s20+s29], $0x400, s22, s29, $0x38;
	[tilespmem:$0x12400] =	vst v63  }
0x2d: {  	_ =	swait.ge [sflag:s30], $0x400  }
0x2e: {  	[sflag:s30] =	ssyncset.done $0x0  }
0x2f: {  	[sflag:s30] =	ssyncadd.s32 $0xFFFFFC00  }
0x30: {  	v3 =	vld [tilespmem:$0x0];
	_ =	sdelay $0x4  }
0x31: {  	v4 =	vshrl.u32 v3, $0x3  }
0x32: {  	v4 =	vmul.u32 $0x30, v4  }
0x33: {  	v3 =	vand.u32 $0x7, v3  }
0x34: {  	v3 =	vor.u32 v3, v4  }
0x35: {  	v4 =	vperm.xlane v3, v0;
	_ =	sdelay $0x1  }
0x36: {  	v4 =	vadd.s32 v1, v4;
	_ =	sdelay $0x3  }
0x37: {  	s31 =	simm.s32 $0x400;
	v3 =	vperm.xlane v3, v2  }
0x38: {  	[tilespmem:s31], [sflag:$0x1] =	stream.indirect_vreg.gather [hbm4b:s1+s4], $0x80, v4, vm0, $0xb8;
	[tilespmem:$0x12400] =	vst v63  }
0x39: {  	s21 =	simm.s32 $0xC00;
	v3 =	vadd.s32 v1, v3  }
0x3a: {  	[tilespmem:s21], [sflag:$0x1] =	stream.indirect_vreg.gather [hbm4b:s7+s4], $0x80, v4, vm0, $0xb8;
	[tilespmem:$0x12400] =	vst v63  }
0x3b: {  	s22 =	simm.s32 $0x1400  }
0x3c: {  	[tilespmem:s22], [sflag:$0x1] =	stream.indirect_vreg.gather [hbm4b:s9+s4], $0x80, v4, vm0, $0xb8;
	[tilespmem:$0x12400] =	vst v63  }
0x3d: {  	s23 =	simm.s32 $0x1C00  }
0x3e: {  	[tilespmem:s23], [sflag:$0x1] =	stream.indirect_vreg.gather [hbm4b:s1+s4], $0x80, v3, vm0, $0xb8;
	[tilespmem:$0x12400] =	vst v63  }
0x3f: {  	s26 =	simm.s32 $0x2400  }
0x40: {  	[tilespmem:s26], [sflag:$0x1] =	stream.indirect_vreg.gather [hbm4b:s7+s4], $0x80, v3, vm0, $0xb8;
	[tilespmem:$0x12400] =	vst v63  }
0x41: {  	s28 =	simm.s32 $0x2C00  }
0x42: {  	[tilespmem:s28], [sflag:$0x1] =	stream.indirect_vreg.gather [hbm4b:s9+s4], $0x80, v3, vm0, $0xb8;
	[tilespmem:$0x12400] =	vst v63  }
0x43: {  	v3 =	vld [tilespmem:$0x10];
	_ =	sdelay $0x4  }
0x44: {  	v62 =	vshrl.u32 v3, $0x3  }
0x45: {  	v4 =	vmul.u32 $0x30, v62  }
0x46: {  	v3 =	vand.u32 $0x7, v3  }
0x47: {  	v3 =	vor.u32 v3, v4  }
0x48: {  	v4 =	vperm.xlane v3, v0;
	_ =	sdelay $0x1  }
0x49: {  	v4 =	vadd.s32 v1, v4;
	_ =	sdelay $0x3  }
0x4a: {  	s29 =	simm.s32 $0x3400;
	v3 =	vperm.xlane v3, v2  }
0x4b: {  	[tilespmem:s29], [sflag:$0x2] =	stream.indirect_vreg.gather [hbm4b:s1+s4], $0x80, v4, vm0, $0xb8;
	[tilespmem:$0x12400] =	vst v63  }
0x4c: {  	s30 =	simm.s32 $0x3C00;
	v3 =	vadd.s32 v1, v3  }
0x4d: {  	[tilespmem:s30], [sflag:$0x2] =	stream.indirect_vreg.gather [hbm4b:s7+s4], $0x80, v4, vm0, $0xb8;
	[tilespmem:$0x12400] =	vst v63  }
0x4e: {  	s31 =	simm.s32 $0x4400  }
0x4f: {  	[tilespmem:s31], [sflag:$0x2] =	stream.indirect_vreg.gather [hbm4b:s9+s4], $0x80, v4, vm0, $0xb8;
	[tilespmem:$0x12400] =	vst v63  }
0x50: {  	s21 =	simm.s32 $0x4C00  }
0x51: {  	[tilespmem:s21], [sflag:$0x2] =	stream.indirect_vreg.gather [hbm4b:s1+s4], $0x80, v3, vm0, $0xb8;
	[tilespmem:$0x12400] =	vst v63  }
0x52: {  	s22 =	simm.s32 $0x5400  }
0x53: {  	[tilespmem:s22], [sflag:$0x2] =	stream.indirect_vreg.gather [hbm4b:s7+s4], $0x80, v3, vm0, $0xb8;
	[tilespmem:$0x12400] =	vst v63  }
0x54: {  	s23 =	simm.s32 $0x5C00  }
0x55: {  	[tilespmem:s23], [sflag:$0x2] =	stream.indirect_vreg.gather [hbm4b:s9+s4], $0x80, v3, vm0, $0xb8;
	[tilespmem:$0x12400] =	vst v63  }
0x56: {  	v3 =	vld [tilespmem:$0x20];
	_ =	sdelay $0x4  }
0x57: {  	v63 =	vshrl.u32 v3, $0x3  }
0x58: {  	v4 =	vmul.u32 $0x30, v63  }
0x59: {  	v3 =	vand.u32 $0x7, v3  }
0x5a: {  	v3 =	vor.u32 v3, v4  }
0x5b: {  	v4 =	vperm.xlane v3, v0;
	_ =	sdelay $0x1  }
0x5c: {  	v4 =	vadd.s32 v1, v4;
	_ =	sdelay $0x3  }
0x5d: {  	v3 =	vperm.xlane v3, v2  }
0x5e: {  	[tilespmem:s17], [sflag:$0x3] =	stream.indirect_vreg.gather [hbm4b:s1+s4], $0x80, v4, vm0, $0xb8;
	[tilespmem:$0x12400] =	vst v63  }
0x5f: {  	s26 =	simm.s32 $0x6C00;
	v3 =	vadd.s32 v1, v3  }
0x60: {  	[tilespmem:s26], [sflag:$0x3] =	stream.indirect_vreg.gather [hbm4b:s7+s4], $0x80, v4, vm0, $0xb8;
	[tilespmem:$0x12400] =	vst v63  }
0x61: {  	s28 =	simm.s32 $0x7400  }
0x62: {  	[tilespmem:s28], [sflag:$0x3] =	stream.indirect_vreg.gather [hbm4b:s9+s4], $0x80, v4, vm0, $0xb8;
	[tilespmem:$0x12400] =	vst v63  }
0x63: {  	s29 =	simm.s32 $0x7C00  }
0x64: {  	[tilespmem:s29], [sflag:$0x3] =	stream.indirect_vreg.gather [hbm4b:s1+s4], $0x80, v3, vm0, $0xb8;
	[tilespmem:$0x12400] =	vst v63  }
0x65: {  	s20 =	simm.s32 $0x60;
	s30 =	simm.s32 $0x8400  }
0x66: {  	[tilespmem:s30], [sflag:$0x3] =	stream.indirect_vreg.gather [hbm4b:s7+s4], $0x80, v3, vm0, $0xb8;
	[tilespmem:$0x12400] =	vst v63  }
0x67: {  	s31 =	simm.s32 $0x8C00;
	s21 =	rddreg [dreg:$0x8];
	s26 =	simm.s32 $0x0  }
0x68: {  	[tilespmem:s31], [sflag:$0x3] =	stream.indirect_vreg.gather [hbm4b:s9+s4], $0x80, v3, vm0, $0xb8;
	[tilespmem:$0x12400] =	vst v63  }
.LBB2_2:
0x69: {  	_ =	swait.ge [sflag:s24], $0x3000  }
0x6a: {  	p0 =	sne.s32 s26, $0x0;
	[sflag:s24] =	ssyncset.done $0x0  }
0x6b: {  	s22 =	simm.s32 @p0 $0x7;
	[sflag:s24] =	ssyncadd.s32 $0xFFFFD000  }
0x6c: {  	_ =	swait.ge @p0 [sflag:s22], $0x600  }
0x6d: {  	[sflag:s22] =	ssyncset.done @p0 $0x0  }
0x6e: {  	[sflag:s22] =	ssyncadd.s32 @p0 $0xFFFFFA00;
	s22 =	simm.s32 @p0 $0x400  }
0x6f: {  	[spmem:s8] =	stream.linear.scatter @p0 [tilespmem:s22], [sflag:$0x5], $0x3000, $0x38;
	[tilespmem:$0x12400] =	vst v63  }
0x70: {  	s23 =	simm.s32 @p0 $0x6;
	s22 =	sshrl.u32 @p0 s21, $0x3  }
0x71: {  	s22 =	smul.u32 @p0 $0x1800, s22;
	_ =	swait.ge @p0 [sflag:s23], $0x3000  }
0x72: {  	[sflag:s23] =	ssyncset.done @p0 $0x0  }
0x73: {  	s22 =	sadd.s32 @p0 s5, s22;
	[sflag:s23] =	ssyncadd.s32 @p0 $0xFFFFD000  }
0x74: {  	s23 =	sshll.u32 @p0 s3, $0x6;
	s22 =	sshrl.u32 @p0 s22, $0x3;
	s28 =	rddreg [dreg:$0x2]  }
0x75: {  	s23 =	sor.u32 @p0 $0x1C08, s23;
	s22 =	sadd.s32 @p0 s28, s22;
	s28 =	sshrl.u32 @p0 s10, $0x3  }
0x76: {  	[hbm:s22], [sflag:s23] =	dma.local @p0 [spmem:s28], $0x600  }
0x77: {  	s22 =	simm.s32 @!p0 $0x400  }
0x78: {  	[spmem:s8] =	stream.linear.scatter @!p0 [tilespmem:s22], [sflag:$0x5], $0x3000, $0x38;
	[tilespmem:$0x12400] =	vst v63  }
0x79: {  	v3 =	vld [tilespmem:s20+$0xFFFFFFD0];
	_ =	sdelay $0x4  }
0x7a: {  	v4 =	vshrl.u32 v3, $0x3  }
0x7b: {  	v4 =	vmul.u32 $0x30, v4  }
0x7c: {  	v3 =	vand.u32 $0x7, v3  }
0x7d: {  	v3 =	vor.u32 v3, v4  }
0x7e: {  	v4 =	vperm.xlane v3, v0;
	_ =	sdelay $0x1  }
0x7f: {  	v4 =	vadd.s32 v1, v4;
	_ =	sdelay $0x3  }
0x80: {  	v3 =	vperm.xlane v3, v2  }
0x81: {  	[tilespmem:s25], [sflag:$0x4] =	stream.indirect_vreg.gather [hbm4b:s1+s4], $0x80, v4, vm0, $0xb8;
	[tilespmem:$0x12400] =	vst v63  }
0x82: {  	s23 =	simm.s32 $0x9C00;
	v3 =	vadd.s32 v1, v3  }
0x83: {  	[tilespmem:s23], [sflag:$0x4] =	stream.indirect_vreg.gather [hbm4b:s7+s4], $0x80, v4, vm0, $0xb8;
	[tilespmem:$0x12400] =	vst v63  }
0x84: {  	s30 =	simm.s32 $0xA400  }
0x85: {  	[tilespmem:s30], [sflag:$0x4] =	stream.indirect_vreg.gather [hbm4b:s9+s4], $0x80, v4, vm0, $0xb8;
	[tilespmem:$0x12400] =	vst v63  }
0x86: {  	s31 =	simm.s32 $0xAC00  }
0x87: {  	[tilespmem:s31], [sflag:$0x4] =	stream.indirect_vreg.gather [hbm4b:s1+s4], $0x80, v3, vm0, $0xb8;
	[tilespmem:$0x12400] =	vst v63  }
0x88: {  	s23 =	simm.s32 $0xB400  }
0x89: {  	[tilespmem:s23], [sflag:$0x4] =	stream.indirect_vreg.gather [hbm4b:s7+s4], $0x80, v3, vm0, $0xb8;
	[tilespmem:$0x12400] =	vst v63  }
0x8a: {  	_ = 	snop  }
0x8b: {  	[tilespmem:s0], [sflag:$0x4] =	stream.indirect_vreg.gather [hbm4b:s9+s4], $0x80, v3, vm0, $0xb8;
	[tilespmem:$0x12400] =	vst v63  }
0x8c: {  	_ =	swait.ge [sflag:s6], $0x3000  }
0x8d: {  	p0 =	seq.s32 s26, $0x0;
	[sflag:s6] =	ssyncset.done $0x0  }
0x8e: {  	s22 =	simm.s32 @!p0 $0x8;
	[sflag:s6] =	ssyncadd.s32 $0xFFFFD000  }
0x8f: {  	_ =	swait.ge @!p0 [sflag:s22], $0x600  }
0x90: {  	[sflag:s22] =	ssyncset.done @!p0 $0x0  }
0x91: {  	s30 =	simm.s32 $0x3400;
	[sflag:s22] =	ssyncadd.s32 @!p0 $0xFFFFFA00  }
0x92: {  	[spmem:s10] =	stream.linear.scatter [tilespmem:s30], [sflag:$0x6], $0x3000, $0x38;
	[tilespmem:$0x12400] =	vst v63  }
0x93: {  	s29 =	sadd.s32 s26, s16;
	_ =	swait.ge [sflag:s11], $0x3000  }
0x94: {  	s28 =	sshll.u32 s3, $0x6;
	s23 =	sshrl.u32 s8, $0x3;
	[sflag:s11] =	ssyncset.done $0x0  }
0x95: {  	s22 =	sor.u32 $0x1C07, s28;
	p0 =	seq.s32 s26, $0x16800;
	[sflag:s11] =	ssyncadd.s32 $0xFFFFD000  }
0x96: {  	[hbm:s29], [sflag:s22] =	dma.local [spmem:s23], $0x600  }
0x97: {  	v3 =	vld @!p0 [tilespmem:s20+$0xFFFFFFE0];
	_ =	sdelay $0x4  }
0x98: {  	v4 =	vshrl.u32 @!p0 v3, $0x3  }
0x99: {  	v4 =	vmul.u32 @!p0 $0x30, v4  }
0x9a: {  	v5 =	vlaneseq.u32 @!p0;
	v3 =	vand.u32 @!p0 $0x7, v3  }
0x9b: {  	v6 =	vshrl.u32 @!p0 v5, $0x3;
	v3 =	vor.u32 @!p0 v3, v4;
	v4 =	vand.u32 @!p0 $0x7, v5  }
0x9c: {  	v6 =	vmul.u32 @!p0 $0x8, v6;
	v7 =	vperm.xlane @!p0 v3, v4;
	_ =	sdelay $0x1  }
0x9d: {  	v7 =	vadd.s32 @!p0 v6, v7;
	_ =	sdelay $0x2  }
0x9e: {  	v5 =	vor.u32 @!p0 $0x8, v5  }
0x9f: {  	vm1 =	vmmov @!p0 $0xffff;
	s30 =	simm.s32 @!p0 $0x0;
	s29 =	simm.s32 @!p0 $0x400;
	v3 =	vperm.xlane @!p0 v3, v5  }
0xa0: {  	[tilespmem:s29], [sflag:$0x1] =	stream.indirect_vreg.gather @!p0 [hbm4b:s1+s30], $0x80, v7, vm1, $0xb8;
	[tilespmem:$0x12400] =	vst v63  }
0xa1: {  	v3 =	vadd.s32 @!p0 v6, v3;
	s29 =	simm.s32 @!p0 $0xC00  }
0xa2: {  	[tilespmem:s29], [sflag:$0x1] =	stream.indirect_vreg.gather @!p0 [hbm4b:s7+s30], $0x80, v7, vm1, $0xb8;
	[tilespmem:$0x12400] =	vst v63  }
0xa3: {  	s29 =	simm.s32 @!p0 $0x1400  }
0xa4: {  	[tilespmem:s29], [sflag:$0x1] =	stream.indirect_vreg.gather @!p0 [hbm4b:s9+s30], $0x80, v7, vm1, $0xb8;
	[tilespmem:$0x12400] =	vst v63  }
0xa5: {  	s29 =	simm.s32 @!p0 $0x1C00  }
0xa6: {  	[tilespmem:s29], [sflag:$0x1] =	stream.indirect_vreg.gather @!p0 [hbm4b:s1+s30], $0x80, v3, vm1, $0xb8;
	[tilespmem:$0x12400] =	vst v63  }
0xa7: {  	s29 =	simm.s32 @!p0 $0x2400  }
0xa8: {  	[tilespmem:s29], [sflag:$0x1] =	stream.indirect_vreg.gather @!p0 [hbm4b:s7+s30], $0x80, v3, vm1, $0xb8;
	[tilespmem:$0x12400] =	vst v63  }
0xa9: {  	s29 =	simm.s32 @!p0 $0x2C00  }
0xaa: {  	[tilespmem:s29], [sflag:$0x1] =	stream.indirect_vreg.gather @!p0 [hbm4b:s9+s30], $0x80, v3, vm1, $0xb8;
	[tilespmem:$0x12400] =	vst v63  }
0xab: {  	_ =	swait.ge [sflag:s12], $0x3000  }
0xac: {  	[sflag:s12] =	ssyncset.done $0x0  }
0xad: {  	[sflag:s12] =	ssyncadd.s32 $0xFFFFD000  }
0xae: {  	_ =	swait.ge [sflag:s13], $0x600  }
0xaf: {  	[sflag:s13] =	ssyncset.done $0x0  }
0xb0: {  	[sflag:s13] =	ssyncadd.s32 $0xFFFFFA00  }
0xb1: {  	[spmem:s8] =	stream.linear.scatter [tilespmem:s17], [sflag:$0x5], $0x3000, $0x38;
	[tilespmem:$0x12400] =	vst v63  }
0xb2: {  	_ =	swait.ge [sflag:s19], $0x3000  }
0xb3: {  	s31 =	sadd.s32 s26, s15;
	[sflag:s19] =	ssyncset.done $0x0  }
0xb4: {  	s28 =	sor.u32 $0x1C08, s28;
	s29 =	sshrl.u32 s10, $0x3;
	[sflag:s19] =	ssyncadd.s32 $0xFFFFD000  }
0xb5: {  	[hbm:s31], [sflag:s28] =	dma.local [spmem:s29], $0x600  }
0xb6: {  	v3 =	vld @!p0 [tilespmem:s20+$0xFFFFFFF0];
	_ =	sdelay $0x4  }
0xb7: {  	v7 =	vshrl.u32 @!p0 v3, $0x3  }
0xb8: {  	v7 =	vmul.u32 @!p0 $0x30, v7  }
0xb9: {  	v3 =	vand.u32 @!p0 $0x7, v3  }
0xba: {  	v3 =	vor.u32 @!p0 v3, v7  }
0xbb: {  	v4 =	vperm.xlane @!p0 v3, v4;
	_ =	sdelay $0x1  }
0xbc: {  	v4 =	vadd.s32 @!p0 v6, v4;
	_ =	sdelay $0x3  }
0xbd: {  	s31 =	simm.s32 @!p0 $0x3400;
	v3 =	vperm.xlane @!p0 v3, v5  }
0xbe: {  	[tilespmem:s31], [sflag:$0x2] =	stream.indirect_vreg.gather @!p0 [hbm4b:s1+s30], $0x80, v4, vm1, $0xb8;
	[tilespmem:$0x12400] =	vst v63  }
0xbf: {  	v3 =	vadd.s32 @!p0 v6, v3;
	s31 =	simm.s32 @!p0 $0x3C00  }
0xc0: {  	[tilespmem:s31], [sflag:$0x2] =	stream.indirect_vreg.gather @!p0 [hbm4b:s7+s30], $0x80, v4, vm1, $0xb8;
	[tilespmem:$0x12400] =	vst v63  }
0xc1: {  	s31 =	simm.s32 @!p0 $0x4400  }
0xc2: {  	[tilespmem:s31], [sflag:$0x2] =	stream.indirect_vreg.gather @!p0 [hbm4b:s9+s30], $0x80, v4, vm1, $0xb8;
	[tilespmem:$0x12400] =	vst v63  }
0xc3: {  	s31 =	simm.s32 @!p0 $0x4C00  }
0xc4: {  	[tilespmem:s31], [sflag:$0x2] =	stream.indirect_vreg.gather @!p0 [hbm4b:s1+s30], $0x80, v3, vm1, $0xb8;
	[tilespmem:$0x12400] =	vst v63  }
0xc5: {  	s31 =	simm.s32 @!p0 $0x5400  }
0xc6: {  	[tilespmem:s31], [sflag:$0x2] =	stream.indirect_vreg.gather @!p0 [hbm4b:s7+s30], $0x80, v3, vm1, $0xb8;
	[tilespmem:$0x12400] =	vst v63  }
0xc7: {  	s31 =	simm.s32 @!p0 $0x5C00  }
0xc8: {  	[tilespmem:s31], [sflag:$0x2] =	stream.indirect_vreg.gather @!p0 [hbm4b:s9+s30], $0x80, v3, vm1, $0xb8;
	[tilespmem:$0x12400] =	vst v63  }
0xc9: {  	_ =	swait.ge [sflag:s2], $0x3000  }
0xca: {  	[sflag:s2] =	ssyncset.done $0x0  }
0xcb: {  	[sflag:s2] =	ssyncadd.s32 $0xFFFFD000  }
0xcc: {  	_ =	swait.ge [sflag:s18], $0x600  }
0xcd: {  	[sflag:s18] =	ssyncset.done $0x0  }
0xce: {  	[sflag:s18] =	ssyncadd.s32 $0xFFFFFA00  }
0xcf: {  	[spmem:s10] =	stream.linear.scatter [tilespmem:s25], [sflag:$0x6], $0x3000, $0x38;
	[tilespmem:$0x12400] =	vst v63  }
.Ltmp2:
0xd0: {  	_ = 	snop;
	(pc) =	sbr.rel @p0 .LBB2_4-.Ltmp2, $4  }
0xd1: {  	_ =	swait.ge [sflag:s11], $0x3000  }
0xd2: {  	[sflag:s11] =	ssyncset.done $0x0  }
0xd3: {  	s31 =	sadd.s32 s26, s14;
	[sflag:s11] =	ssyncadd.s32 $0xFFFFD000  }
0xd4: {  	[hbm:s31], [sflag:s22] =	dma.local [spmem:s23], $0x600  }
0xd5: {  	v3 =	vld [tilespmem:s20+$0x0];
	_ =	sdelay $0x4  }
0xd6: {  	v4 =	vshrl.u32 v3, $0x3  }
0xd7: {  	v4 =	vmul.u32 $0x30, v4  }
0xd8: {  	v3 =	vand.u32 $0x7, v3  }
0xd9: {  	v3 =	vor.u32 v3, v4  }
0xda: {  	v4 =	vperm.xlane v3, v0;
	_ =	sdelay $0x1  }
0xdb: {  	v4 =	vadd.s32 v1, v4;
	_ =	sdelay $0x3  }
0xdc: {  	v3 =	vperm.xlane v3, v2  }
0xdd: {  	[tilespmem:s17], [sflag:$0x3] =	stream.indirect_vreg.gather [hbm4b:s1+s4], $0x80, v4, vm0, $0xb8;
	[tilespmem:$0x12400] =	vst v63  }
0xde: {  	s22 =	simm.s32 $0x6C00;
	v3 =	vadd.s32 v1, v3  }
0xdf: {  	[tilespmem:s22], [sflag:$0x3] =	stream.indirect_vreg.gather [hbm4b:s7+s4], $0x80, v4, vm0, $0xb8;
	[tilespmem:$0x12400] =	vst v63  }
0xe0: {  	s28 =	simm.s32 $0x7400  }
0xe1: {  	[tilespmem:s28], [sflag:$0x3] =	stream.indirect_vreg.gather [hbm4b:s9+s4], $0x80, v4, vm0, $0xb8;
	[tilespmem:$0x12400] =	vst v63  }
0xe2: {  	s29 =	simm.s32 $0x7C00  }
0xe3: {  	[tilespmem:s29], [sflag:$0x3] =	stream.indirect_vreg.gather [hbm4b:s1+s4], $0x80, v3, vm0, $0xb8;
	[tilespmem:$0x12400] =	vst v63  }
.Ltmp3:
0xe4: {  	_ = 	snop;
	(pc) =	sbr.rel .LBB2_2-.Ltmp3, $4  }
0xe5: {  	s30 =	simm.s32 $0x8400;
	s31 =	simm.s32 $0x8C00  }
0xe6: {  	[tilespmem:s30], [sflag:$0x3] =	stream.indirect_vreg.gather [hbm4b:s7+s4], $0x80, v3, vm0, $0xb8;
	[tilespmem:$0x12400] =	vst v63  }
0xe7: {  	s21 =	sadd.s32 $0x40, s21;
	s26 =	sadd.s32 $0x1800, s26;
	s20 =	sadd.s32 $0x40, s20  }
0xe8: {  	[tilespmem:s31], [sflag:$0x3] =	stream.indirect_vreg.gather [hbm4b:s9+s4], $0x80, v3, vm0, $0xb8;
	[tilespmem:$0x12400] =	vst v63  }
.LBB2_5:
0xe9: {  	_ =	sfence.sel $0x180000  }
0xea: {  	[bflag:$0x0] =	sbarrier.arrive $0xFFFF  }
0xeb: {  	_ =	strace $0x90000047  }
0xec: {  	[bflag:$0x2] =	sbarrier.arrive $0xFFFF  }
0xed: {  	p0 =	sne.s32 s3, $0x0;
	s0 =	rddreg [dreg:$0x4]  }
0xee: {  	s0 =	sadd.s32 @!p0 $0x100000, s0  }
0xef: {  	[sflag:s0] =	ssyncadd.tile.s32 @!p0 $0x1;
	_ =	shalt  }
.Lfunc_end2:
_tile_overlayer_lowered:
.L_overlay_start_2:
0xf0: {  	(tag) =	ssettag $0x2  }
0xf1: {  	s0 =	rddreg [dreg:$0x0];
	s2 =	stileid.u32  }
0xf2: {  	s1 =	rddreg [dreg:$0x1];
	p0 =	sne.s32 s2, $0x0  }
0xf3: {  	s3 =	rddreg [dreg:$0x2];
	[bflag:$0x3] =	sbarrier.arrive $0xFFFF;
	s2 =	simm.s32 @!p0 $0x1C09  }
0xf4: {  	[timem:s3], [sflag:s2] =	dma.local @!p0 [hbm:s0], s1  }
0xf5: {  	s0 =	simm.s32 @!p0 $0x9  }
0xf6: {  	_ =	swait.ge @!p0 [sflag:s0], s1  }
0xf7: {  	s1 =	ssub.s32 @!p0 $0x0, s1;
	[sflag:s0] =	ssyncset.done @!p0 $0x0  }
0xf8: {  	[sflag:s0] =	ssyncadd.s32 @!p0 s1  }
0xf9: {  	[bflag:$0x3] =	sbarrier.arrive $0xFFFF  }
0xfa: {  	_ =	shalt  }

</sc_bundles>
